<compile_context>
chip_gen: v7x
topology: tpu7x:2x2x1
jax: 0.10.2.dev20260603
libtpu: 0.0.44.dev20260713+nightly
codegen_flags: <defaults>
</compile_context>

<pallas_src>
import functools

import jax
import jax.numpy as jnp
from jax import lax
from jax.experimental import pallas as pl
from jax.experimental.pallas import tpu as pltpu
from jax.experimental.pallas import tpu_sc as plsc

N = 10000
E = 320000
D = 128

NC = 2
NS = 16
NW = NC * NS
CH = 128
EPW = E // NW
ITERS = EPW // CH
TCH = EPW - ITERS * CH
RPS = 624
TAIL0 = NS * RPS
TAIL = N - TAIL0

ROW_BLK = 1000


def _mm_body(h_ref, w_ref, norm_ref, o_ref):
    o_ref[...] = (
        jnp.dot(h_ref[...], w_ref[...], preferred_element_type=jnp.float32)
        * norm_ref[...]
    )


def _fin_body(p0_ref, p1_ref, norm_ref, bias_ref, o_ref):
    o_ref[...] = (p0_ref[...] + p1_ref[...]) * norm_ref[...] + bias_ref[...]


@functools.partial(
    pl.kernel,
    mesh=plsc.VectorSubcoreMesh(core_axis_name="c", subcore_axis_name="s"),
    out_type=jax.ShapeDtypeStruct((NC, N, D), jnp.float32),
    scratch_types=[
        pltpu.VMEM((CH,), jnp.int32),
        pltpu.VMEM((CH,), jnp.int32),
        pltpu.VMEM((CH,), jnp.int32),
        pltpu.VMEM((CH,), jnp.int32),
        pltpu.VMEM((CH,), jnp.int32),
        pltpu.VMEM((CH,), jnp.int32),
        pltpu.VMEM((CH, D), jnp.float32),
        pltpu.VMEM((CH, D), jnp.float32),
        pltpu.VMEM((TCH,), jnp.int32),
        pltpu.VMEM((TCH,), jnp.int32),
        pltpu.VMEM((TCH, D), jnp.float32),
        pltpu.VMEM_SHARED((N, D), jnp.float32),
        pltpu.SemaphoreType.DMA,
        pltpu.SemaphoreType.DMA,
        pltpu.SemaphoreType.DMA,
        pltpu.SemaphoreType.DMA,
        pltpu.SemaphoreType.DMA,
        pltpu.SemaphoreType.DMA,
    ],
)
def _sc_edge(xs_hbm, src_hbm, dst_hbm, zeros_hbm, out_hbm,
             sbuf0, sbuf1, dbuf0, dbuf1, sidx0, sidx1, rows0, rows1,
             tsrc, tdst, trows, acc_sh,
             semi0, semi1, semg0, semg1, sems0, sems1):
    c = lax.axis_index("c")
    s = lax.axis_index("s")
    sbuf = [sbuf0, sbuf1]
    dbuf = [dbuf0, dbuf1]
    sidx = [sidx0, sidx1]
    rows = [rows0, rows1]
    semi = [semi0, semi1]
    semg = [semg0, semg1]
    sems = [sems0, sems1]
    r0 = s * RPS
    pltpu.sync_copy(zeros_hbm.at[pl.ds(r0, RPS)], acc_sh.at[pl.ds(r0, RPS)])

    @pl.when(s == 0)
    def _init_tail():
        pltpu.sync_copy(zeros_hbm.at[pl.ds(TAIL0, TAIL)],
                        acc_sh.at[pl.ds(TAIL0, TAIL)])

    plsc.subcore_barrier()

    base = (c * NS + s) * EPW

    def idx_start(b, off):
        off = jnp.minimum(off, E - CH)
        pltpu.make_async_copy(
            src_hbm.at[pl.ds(off, CH)], sbuf[b], semi[b]).start()
        pltpu.make_async_copy(
            dst_hbm.at[pl.ds(off, CH)], dbuf[b], semi[b]).start()

    def idx_wait(b):
        pltpu.make_async_copy(
            src_hbm.at[pl.ds(0, CH)], sbuf[b], semi[b]).wait()
        pltpu.make_async_copy(
            dst_hbm.at[pl.ds(0, CH)], dbuf[b], semi[b]).wait()

    def g_start(b):
        pltpu.make_async_copy(
            xs_hbm.at[sbuf[b]], rows[b], semg[b]).start()

    def g_wait(b):
        pltpu.make_async_copy(
            xs_hbm.at[sbuf[b]], rows[b], semg[b]).wait()

    def snap_sidx(b):
        for tt in range(CH // 16):
            sidx[b][pl.ds(tt * 16, 16)] = dbuf[b][pl.ds(tt * 16, 16)]

    def s_start(b):
        pltpu.make_async_copy(
            rows[b], acc_sh.at[sidx[b]], sems[b]).start(add=True)

    def s_wait(b):
        pltpu.make_async_copy(
            rows[b], acc_sh.at[sidx[b]], sems[b]).wait()

    idx_start(0, base)
    idx_wait(0)
    g_start(0)
    idx_start(1, base + CH)
    idx_wait(1)
    g_start(1)
    g_wait(0)
    snap_sidx(0)
    s_start(0)
    idx_start(0, base + 2 * CH)

    def body(k, b):
        nb = b ^ 1
        s_wait(b)
        idx_wait(b)
        g_start(b)
        g_wait(nb)
        snap_sidx(nb)
        s_start(nb)
        idx_start(nb, base + (k + 1) * CH)

    def loop_body(j, carry):
        body(2 * j, 0)
        body(2 * j + 1, 1)
        return carry

    lax.fori_loop(1, ITERS // 2, loop_body, 0)

    g_wait(1)
    snap_sidx(1)
    s_start(1)
    s_wait(0)
    s_wait(1)
    idx_wait(0)

    toff = base + ITERS * CH
    pltpu.sync_copy(src_hbm.at[pl.ds(toff, TCH)], tsrc)
    pltpu.sync_copy(dst_hbm.at[pl.ds(toff, TCH)], tdst)
    pltpu.async_copy(xs_hbm.at[tsrc], trows, semg0).wait()
    pltpu.sync_copy(trows, acc_sh.at[tdst], add=True)

    plsc.subcore_barrier()
    pltpu.sync_copy(acc_sh.at[pl.ds(r0, RPS)], out_hbm.at[c, pl.ds(r0, RPS)])

    @pl.when(s == 0)
    def _out_tail():
        pltpu.sync_copy(acc_sh.at[pl.ds(TAIL0, TAIL)],
                        out_hbm.at[c, pl.ds(TAIL0, TAIL)])


def kernel(h, edge_index, W, bias, norm):
    src = edge_index[0]
    dst = edge_index[1]
    normc = norm[:, None]

    xs = pl.pallas_call(
        _mm_body,
        grid=(N // ROW_BLK,),
        in_specs=[
            pl.BlockSpec((ROW_BLK, D), lambda i: (i, 0)),
            pl.BlockSpec((D, D), lambda i: (0, 0)),
            pl.BlockSpec((ROW_BLK, 1), lambda i: (i, 0)),
        ],
        out_specs=pl.BlockSpec((ROW_BLK, D), lambda i: (i, 0)),
        out_shape=jax.ShapeDtypeStruct((N, D), jnp.float32),
    )(h, W, normc)

    zeros = jnp.zeros((N, D), jnp.float32)
    partial = _sc_edge(xs, src, dst, zeros)

    out = pl.pallas_call(
        _fin_body,
        grid=(N // ROW_BLK,),
        in_specs=[
            pl.BlockSpec((ROW_BLK, D), lambda i: (i, 0)),
            pl.BlockSpec((ROW_BLK, D), lambda i: (i, 0)),
            pl.BlockSpec((ROW_BLK, 1), lambda i: (i, 0)),
            pl.BlockSpec((1, D), lambda i: (0, 0)),
        ],
        out_specs=pl.BlockSpec((ROW_BLK, D), lambda i: (i, 0)),
        out_shape=jax.ShapeDtypeStruct((N, D), jnp.float32),
    )(partial[0], partial[1], normc, bias.reshape(1, D))
    return out

# --- scband reference (transcript-rebuilt; emitter-appended) ---
"""Pipeline reference for scband-gcnlayer-6622839571277 (READ-ONLY COPY).

The authoritative reference and input builder live on the scoring server;
editing this copy changes nothing except your own understanding.
"""

import jax, jax.numpy as jnp
import numpy as np

N = 10000
E = 320000
D_IN = 128
D_OUT = 128


def setup_inputs(seed: int = 0) -> dict:
    key = jax.random.key(seed)
    k1, k2, k3, k4 = jax.random.split(key, 4)
    h = jax.random.normal(k1, (N, D_IN), dtype=jnp.float32)
    edge_index = jax.random.randint(k2, (2, E), 0, N, dtype=jnp.int32)
    # GCNLayer.reset_parameters: uniform(-stdv, stdv) with stdv = 1/sqrt(out_feats)
    stdv = 1.0 / np.sqrt(D_OUT)
    W = jax.random.uniform(k3, (D_IN, D_OUT), minval=-stdv, maxval=stdv, dtype=jnp.float32)
    bias = jax.random.uniform(k4, (D_OUT,), minval=-stdv, maxval=stdv, dtype=jnp.float32)
    # symmetric GCN normalization: norm = deg^{-1/2} (in-degree), inf -> 0
    deg = jnp.bincount(edge_index[1], length=N)
    norm = jnp.where(deg > 0, 1.0 / jnp.sqrt(jnp.maximum(deg, 1).astype(jnp.float32)), 0.0)
    return {"h": h, "edge_index": edge_index, "W": W, "bias": bias, "norm": norm}


def reference(h, edge_index, W, bias, norm):
    # dropout=0.0 -> identity; activation=None -> identity
    src = edge_index[0]
    dst = edge_index[1]
    # ndata['h'] = h @ W
    hW = h @ W
    # gcn_msg: m = h_src * norm_src
    msg = hW[src] * norm[src][:, None]
    # gcn_reduce: sum over mailbox, then * norm_dst
    agg = jax.ops.segment_sum(msg, dst, num_segments=N)
    accum = agg * norm[:, None]
    # NodeApplyModule: + bias (activation is None)
    out = accum + bias
    return out

if __name__ == "__main__":
    import jax
    _d = setup_inputs()
    print(jax.jit(kernel)(*tuple(_d.values())))

</pallas_src>

<mosaic_0001>
#map = affine_map<(d0, d1) -> (0, 0)>
#map1 = affine_map<(d0, d1) -> (0)>
#map2 = affine_map<(d0, d1) -> (0, 0, 0)>
module attributes {stable_mosaic.version = 14 : i64} {
  func.func @_sc_edge(%arg0: i32, %arg1: i32, %arg2: memref<10000x128xf32, #tpu.memory_space<hbm>>, %arg3: memref<320000xi32, #tpu.memory_space<hbm>>, %arg4: memref<320000xi32, #tpu.memory_space<hbm>>, %arg5: memref<10000x128xf32, #tpu.memory_space<hbm>>, %arg6: memref<2x10000x128xf32, #tpu.memory_space<hbm>>, %arg7: memref<128xi32, #tpu.memory_space<vmem>>, %arg8: memref<128xi32, #tpu.memory_space<vmem>>, %arg9: memref<128xi32, #tpu.memory_space<vmem>>, %arg10: memref<128xi32, #tpu.memory_space<vmem>>, %arg11: memref<128xi32, #tpu.memory_space<vmem>>, %arg12: memref<128xi32, #tpu.memory_space<vmem>>, %arg13: memref<128x128xf32, #tpu.memory_space<vmem>>, %arg14: memref<128x128xf32, #tpu.memory_space<vmem>>, %arg15: memref<16xi32, #tpu.memory_space<vmem>>, %arg16: memref<16xi32, #tpu.memory_space<vmem>>, %arg17: memref<16x128xf32, #tpu.memory_space<vmem>>, %arg18: memref<10000x128xf32, #tpu.memory_space<vmem_shared>>, %arg19: memref<!tpu.dma_semaphore, #tpu.memory_space<semaphore_mem>>, %arg20: memref<!tpu.dma_semaphore, #tpu.memory_space<semaphore_mem>>, %arg21: memref<!tpu.dma_semaphore, #tpu.memory_space<semaphore_mem>>, %arg22: memref<!tpu.dma_semaphore, #tpu.memory_space<semaphore_mem>>, %arg23: memref<!tpu.dma_semaphore, #tpu.memory_space<semaphore_mem>>, %arg24: memref<!tpu.dma_semaphore, #tpu.memory_space<semaphore_mem>>) attributes {dimension_semantics = [#tpu.dimension_semantics<core_parallel>, #tpu.dimension_semantics<subcore_parallel>], iteration_bounds = array<i64: 2, 16>, scalar_prefetch = 0 : i64, scratch_operands = 18 : i64, tpu.core_type = #tpu.core_type<sc_vector_subcore>, window_params = [{transform_indices = #map}, {transform_indices = #map1}, {transform_indices = #map1}, {transform_indices = #map}, {transform_indices = #map2}]} {
    %mul3A = arith.constant 624 : i32
    %mul3A_0 = arith.muli %arg1, %mul3A : i32
    "tpu.region"() ({
      %run_scoped3A = tpu.sem_alloc : memref<!tpu.dma_semaphore, #tpu.memory_space<semaphore_mem>>
      %dma_start3A_203 = arith.constant 0 : i32
      %dma_start3A_204 = tpu.memref_slice %arg18[%mul3A_0, %dma_start3A_203] : memref<10000x128xf32, #tpu.memory_space<vmem_shared>> -> memref<624x128xf32, #tpu.memory_space<vmem_shared>>
      %dma_start3A_205 = arith.constant 0 : i32
      %dma_start3A_206 = tpu.memref_slice %arg5[%mul3A_0, %dma_start3A_205] : memref<10000x128xf32, #tpu.memory_space<hbm>> -> memref<624x128xf32, #tpu.memory_space<hbm>>
      tpu.enqueue_dma source(%dma_start3A_206 : memref<624x128xf32, #tpu.memory_space<hbm>>) target(%dma_start3A_204 : memref<624x128xf32, #tpu.memory_space<vmem_shared>>) target_semaphore(%run_scoped3A : memref<!tpu.dma_semaphore, #tpu.memory_space<semaphore_mem>>)
      %dma_wait3A_207 = arith.constant 0 : i32
      %dma_wait3A_208 = tpu.memref_slice %arg18[%mul3A_0, %dma_wait3A_207] : memref<10000x128xf32, #tpu.memory_space<vmem_shared>> -> memref<624x128xf32, #tpu.memory_space<vmem_shared>>
      %dma_wait3A_209 = arith.constant 0 : i32
      %dma_wait3A_210 = tpu.memref_slice %arg5[%mul3A_0, %dma_wait3A_209] : memref<10000x128xf32, #tpu.memory_space<hbm>> -> memref<624x128xf32, #tpu.memory_space<hbm>>
      tpu.wait_dma2 semaphore(%run_scoped3A : memref<!tpu.dma_semaphore, #tpu.memory_space<semaphore_mem>>) src(%dma_wait3A_210 : memref<624x128xf32, #tpu.memory_space<hbm>>) dst(%dma_wait3A_208 : memref<624x128xf32, #tpu.memory_space<vmem_shared>>)
      tpu.yield
    }) : () -> ()
    %eq3A = arith.constant 0 : i32
    %eq3A_1 = arith.cmpi eq, %arg1, %eq3A : i32
    %convert_element_type3A = arith.extui %eq3A_1 : i1 to i32
    %cond3A = arith.constant 0 : i32
    %cond3A_2 = arith.cmpi ne, %convert_element_type3A, %cond3A : i32
    scf.if %cond3A_2 {
      "tpu.region"() ({
        %run_scoped3A = tpu.sem_alloc : memref<!tpu.dma_semaphore, #tpu.memory_space<semaphore_mem>>
        %dma_start3A_203 = arith.constant 9984 : i32
        %dma_start3A_204 = arith.constant 0 : i32
        %dma_start3A_205 = tpu.memref_slice %arg18[%dma_start3A_203, %dma_start3A_204] : memref<10000x128xf32, #tpu.memory_space<vmem_shared>> -> memref<16x128xf32, #tpu.memory_space<vmem_shared>>
        %dma_start3A_206 = arith.constant 9984 : i32
        %dma_start3A_207 = arith.constant 0 : i32
        %dma_start3A_208 = tpu.memref_slice %arg5[%dma_start3A_206, %dma_start3A_207] : memref<10000x128xf32, #tpu.memory_space<hbm>> -> memref<16x128xf32, #tpu.memory_space<hbm>>
        tpu.enqueue_dma source(%dma_start3A_208 : memref<16x128xf32, #tpu.memory_space<hbm>>) target(%dma_start3A_205 : memref<16x128xf32, #tpu.memory_space<vmem_shared>>) target_semaphore(%run_scoped3A : memref<!tpu.dma_semaphore, #tpu.memory_space<semaphore_mem>>)
        %dma_wait3A_209 = arith.constant 9984 : i32
        %dma_wait3A_210 = arith.constant 0 : i32
        %dma_wait3A_211 = tpu.memref_slice %arg18[%dma_wait3A_209, %dma_wait3A_210] : memref<10000x128xf32, #tpu.memory_space<vmem_shared>> -> memref<16x128xf32, #tpu.memory_space<vmem_shared>>
        %dma_wait3A_212 = arith.constant 9984 : i32
        %dma_wait3A_213 = arith.constant 0 : i32
        %dma_wait3A_214 = tpu.memref_slice %arg5[%dma_wait3A_212, %dma_wait3A_213] : memref<10000x128xf32, #tpu.memory_space<hbm>> -> memref<16x128xf32, #tpu.memory_space<hbm>>
        tpu.wait_dma2 semaphore(%run_scoped3A : memref<!tpu.dma_semaphore, #tpu.memory_space<semaphore_mem>>) src(%dma_wait3A_214 : memref<16x128xf32, #tpu.memory_space<hbm>>) dst(%dma_wait3A_211 : memref<16x128xf32, #tpu.memory_space<vmem_shared>>)
        tpu.yield
      }) : () -> ()
    } else {
    }
    %barrier3A = arith.constant 0 : index
    tpu.barrier barrier_id(%barrier3A)
    %mul3A_3 = arith.constant 16 : i32
    %mul3A_4 = arith.muli %arg0, %mul3A_3 : i32
    %add3A = arith.addi %mul3A_4, %arg1 : i32
    %mul3A_5 = arith.constant 10000 : i32
    %mul3A_6 = arith.muli %add3A, %mul3A_5 : i32
    %min3A = arith.constant 319872 : i32
    %min3A_7 = arith.minsi %mul3A_6, %min3A : i32
    %dma_start3A = tpu.memref_slice %arg3[%min3A_7] : memref<320000xi32, #tpu.memory_space<hbm>> -> memref<128xi32, #tpu.memory_space<hbm>>
    %dma_start3A_8 = tpu.memref_slice %arg3[%min3A_7] : memref<320000xi32, #tpu.memory_space<hbm>> -> memref<128xi32, #tpu.memory_space<hbm>>
    tpu.enqueue_dma source(%dma_start3A_8 : memref<128xi32, #tpu.memory_space<hbm>>) target(%arg7 : memref<128xi32, #tpu.memory_space<vmem>>) target_semaphore(%arg19 : memref<!tpu.dma_semaphore, #tpu.memory_space<semaphore_mem>>)
    %dma_start3A_9 = tpu.memref_slice %arg4[%min3A_7] : memref<320000xi32, #tpu.memory_space<hbm>> -> memref<128xi32, #tpu.memory_space<hbm>>
    %dma_start3A_10 = tpu.memref_slice %arg4[%min3A_7] : memref<320000xi32, #tpu.memory_space<hbm>> -> memref<128xi32, #tpu.memory_space<hbm>>
    tpu.enqueue_dma source(%dma_start3A_10 : memref<128xi32, #tpu.memory_space<hbm>>) target(%arg9 : memref<128xi32, #tpu.memory_space<vmem>>) target_semaphore(%arg19 : memref<!tpu.dma_semaphore, #tpu.memory_space<semaphore_mem>>)
    %dma_wait3A = arith.constant 0 : i32
    %dma_wait3A_11 = tpu.memref_slice %arg3[%dma_wait3A] : memref<320000xi32, #tpu.memory_space<hbm>> -> memref<128xi32, #tpu.memory_space<hbm>>
    %dma_wait3A_12 = arith.constant 0 : i32
    %dma_wait3A_13 = tpu.memref_slice %arg3[%dma_wait3A_12] : memref<320000xi32, #tpu.memory_space<hbm>> -> memref<128xi32, #tpu.memory_space<hbm>>
    tpu.wait_dma2 semaphore(%arg19 : memref<!tpu.dma_semaphore, #tpu.memory_space<semaphore_mem>>) src(%dma_wait3A_13 : memref<128xi32, #tpu.memory_space<hbm>>) dst(%arg7 : memref<128xi32, #tpu.memory_space<vmem>>)
    %dma_wait3A_14 = arith.constant 0 : i32
    %dma_wait3A_15 = tpu.memref_slice %arg4[%dma_wait3A_14] : memref<320000xi32, #tpu.memory_space<hbm>> -> memref<128xi32, #tpu.memory_space<hbm>>
    %dma_wait3A_16 = arith.constant 0 : i32
    %dma_wait3A_17 = tpu.memref_slice %arg4[%dma_wait3A_16] : memref<320000xi32, #tpu.memory_space<hbm>> -> memref<128xi32, #tpu.memory_space<hbm>>
    tpu.wait_dma2 semaphore(%arg19 : memref<!tpu.dma_semaphore, #tpu.memory_space<semaphore_mem>>) src(%dma_wait3A_17 : memref<128xi32, #tpu.memory_space<hbm>>) dst(%arg9 : memref<128xi32, #tpu.memory_space<vmem>>)
    %dma_start3A_18 = arith.constant 0 : i32
    %dma_start3A_19 = arith.constant 0 : i32
    %dma_start3A_20 = tpu.memref_slice %arg2[%dma_start3A_18, %dma_start3A_19] : memref<10000x128xf32, #tpu.memory_space<hbm>> -> memref<10000x128xf32, #tpu.memory_space<hbm>>
    tpu.enqueue_indirect_dma source(%dma_start3A_20 : memref<10000x128xf32, #tpu.memory_space<hbm>>) target(%arg13 : memref<128x128xf32, #tpu.memory_space<vmem>>) offsets(%arg7 : memref<128xi32, #tpu.memory_space<vmem>>) semaphore(%arg21 : memref<!tpu.dma_semaphore, #tpu.memory_space<semaphore_mem>>)
    %add3A_21 = arith.constant 128 : i32
    %add3A_22 = arith.addi %mul3A_6, %add3A_21 : i32
    %min3A_23 = arith.constant 319872 : i32
    %min3A_24 = arith.minsi %add3A_22, %min3A_23 : i32
    %dma_start3A_25 = tpu.memref_slice %arg3[%min3A_24] : memref<320000xi32, #tpu.memory_space<hbm>> -> memref<128xi32, #tpu.memory_space<hbm>>
    %dma_start3A_26 = tpu.memref_slice %arg3[%min3A_24] : memref<320000xi32, #tpu.memory_space<hbm>> -> memref<128xi32, #tpu.memory_space<hbm>>
    tpu.enqueue_dma source(%dma_start3A_26 : memref<128xi32, #tpu.memory_space<hbm>>) target(%arg8 : memref<128xi32, #tpu.memory_space<vmem>>) target_semaphore(%arg20 : memref<!tpu.dma_semaphore, #tpu.memory_space<semaphore_mem>>)
    %dma_start3A_27 = tpu.memref_slice %arg4[%min3A_24] : memref<320000xi32, #tpu.memory_space<hbm>> -> memref<128xi32, #tpu.memory_space<hbm>>
    %dma_start3A_28 = tpu.memref_slice %arg4[%min3A_24] : memref<320000xi32, #tpu.memory_space<hbm>> -> memref<128xi32, #tpu.memory_space<hbm>>
    tpu.enqueue_dma source(%dma_start3A_28 : memref<128xi32, #tpu.memory_space<hbm>>) target(%arg10 : memref<128xi32, #tpu.memory_space<vmem>>) target_semaphore(%arg20 : memref<!tpu.dma_semaphore, #tpu.memory_space<semaphore_mem>>)
    %dma_wait3A_29 = arith.constant 0 : i32
    %dma_wait3A_30 = tpu.memref_slice %arg3[%dma_wait3A_29] : memref<320000xi32, #tpu.memory_space<hbm>> -> memref<128xi32, #tpu.memory_space<hbm>>
    %dma_wait3A_31 = arith.constant 0 : i32
    %dma_wait3A_32 = tpu.memref_slice %arg3[%dma_wait3A_31] : memref<320000xi32, #tpu.memory_space<hbm>> -> memref<128xi32, #tpu.memory_space<hbm>>
    tpu.wait_dma2 semaphore(%arg20 : memref<!tpu.dma_semaphore, #tpu.memory_space<semaphore_mem>>) src(%dma_wait3A_32 : memref<128xi32, #tpu.memory_space<hbm>>) dst(%arg8 : memref<128xi32, #tpu.memory_space<vmem>>)
    %dma_wait3A_33 = arith.constant 0 : i32
    %dma_wait3A_34 = tpu.memref_slice %arg4[%dma_wait3A_33] : memref<320000xi32, #tpu.memory_space<hbm>> -> memref<128xi32, #tpu.memory_space<hbm>>
    %dma_wait3A_35 = arith.constant 0 : i32
    %dma_wait3A_36 = tpu.memref_slice %arg4[%dma_wait3A_35] : memref<320000xi32, #tpu.memory_space<hbm>> -> memref<128xi32, #tpu.memory_space<hbm>>
    tpu.wait_dma2 semaphore(%arg20 : memref<!tpu.dma_semaphore, #tpu.memory_space<semaphore_mem>>) src(%dma_wait3A_36 : memref<128xi32, #tpu.memory_space<hbm>>) dst(%arg10 : memref<128xi32, #tpu.memory_space<vmem>>)
    %dma_start3A_37 = arith.constant 0 : i32
    %dma_start3A_38 = arith.constant 0 : i32
    %dma_start3A_39 = tpu.memref_slice %arg2[%dma_start3A_37, %dma_start3A_38] : memref<10000x128xf32, #tpu.memory_space<hbm>> -> memref<10000x128xf32, #tpu.memory_space<hbm>>
    tpu.enqueue_indirect_dma source(%dma_start3A_39 : memref<10000x128xf32, #tpu.memory_space<hbm>>) target(%arg14 : memref<128x128xf32, #tpu.memory_space<vmem>>) offsets(%arg8 : memref<128xi32, #tpu.memory_space<vmem>>) semaphore(%arg22 : memref<!tpu.dma_semaphore, #tpu.memory_space<semaphore_mem>>)
    %dma_wait3A_40 = arith.constant 0 : i32
    %dma_wait3A_41 = arith.constant 0 : i32
    %dma_wait3A_42 = tpu.memref_slice %arg2[%dma_wait3A_40, %dma_wait3A_41] : memref<10000x128xf32, #tpu.memory_space<hbm>> -> memref<10000x128xf32, #tpu.memory_space<hbm>>
    tpu.wait_indirect_dma semaphore(%arg21 : memref<!tpu.dma_semaphore, #tpu.memory_space<semaphore_mem>>) src(%dma_wait3A_42 : memref<10000x128xf32, #tpu.memory_space<hbm>>) dst(%arg13 : memref<128x128xf32, #tpu.memory_space<vmem>>)
    %get3A = arith.constant 0 : index
    %get3A_43 = tpu.vector_load %arg9[%get3A] {strides = array<i32>} : memref<128xi32, #tpu.memory_space<vmem>>, vector<16xi32>,
    %get3A_44 = vector.shape_cast %get3A_43 : vector<16xi32> to vector<16xi32>
    %swap3A = arith.constant 0 : index
    %swap3A_45 = tpu.vector_load %arg11[%swap3A] {strides = array<i32>} : memref<128xi32, #tpu.memory_space<vmem>>, vector<16xi32>,
    %swap3A_46 = vector.shape_cast %swap3A_45 : vector<16xi32> to vector<16xi32>
    %swap3A_47 = vector.shape_cast %get3A_44 : vector<16xi32> to vector<16xi32>
    tpu.vector_store %arg11[%swap3A], %swap3A_47 {strides = array<i32>} : memref<128xi32, #tpu.memory_space<vmem>>, vector<16xi32>,
    %get3A_48 = arith.constant 16 : index
    %get3A_49 = tpu.vector_load %arg9[%get3A_48] {strides = array<i32>} : memref<128xi32, #tpu.memory_space<vmem>>, vector<16xi32>,
    %get3A_50 = vector.shape_cast %get3A_49 : vector<16xi32> to vector<16xi32>
    %swap3A_51 = arith.constant 16 : index
    %swap3A_52 = tpu.vector_load %arg11[%swap3A_51] {strides = array<i32>} : memref<128xi32, #tpu.memory_space<vmem>>, vector<16xi32>,
    %swap3A_53 = vector.shape_cast %swap3A_52 : vector<16xi32> to vector<16xi32>
    %swap3A_54 = vector.shape_cast %get3A_50 : vector<16xi32> to vector<16xi32>
    tpu.vector_store %arg11[%swap3A_51], %swap3A_54 {strides = array<i32>} : memref<128xi32, #tpu.memory_space<vmem>>, vector<16xi32>,
    %get3A_55 = arith.constant 32 : index
    %get3A_56 = tpu.vector_load %arg9[%get3A_55] {strides = array<i32>} : memref<128xi32, #tpu.memory_space<vmem>>, vector<16xi32>,
    %get3A_57 = vector.shape_cast %get3A_56 : vector<16xi32> to vector<16xi32>
    %swap3A_58 = arith.constant 32 : index
    %swap3A_59 = tpu.vector_load %arg11[%swap3A_58] {strides = array<i32>} : memref<128xi32, #tpu.memory_space<vmem>>, vector<16xi32>,
    %swap3A_60 = vector.shape_cast %swap3A_59 : vector<16xi32> to vector<16xi32>
    %swap3A_61 = vector.shape_cast %get3A_57 : vector<16xi32> to vector<16xi32>
    tpu.vector_store %arg11[%swap3A_58], %swap3A_61 {strides = array<i32>} : memref<128xi32, #tpu.memory_space<vmem>>, vector<16xi32>,
    %get3A_62 = arith.constant 48 : index
    %get3A_63 = tpu.vector_load %arg9[%get3A_62] {strides = array<i32>} : memref<128xi32, #tpu.memory_space<vmem>>, vector<16xi32>,
    %get3A_64 = vector.shape_cast %get3A_63 : vector<16xi32> to vector<16xi32>
    %swap3A_65 = arith.constant 48 : index
    %swap3A_66 = tpu.vector_load %arg11[%swap3A_65] {strides = array<i32>} : memref<128xi32, #tpu.memory_space<vmem>>, vector<16xi32>,
    %swap3A_67 = vector.shape_cast %swap3A_66 : vector<16xi32> to vector<16xi32>
    %swap3A_68 = vector.shape_cast %get3A_64 : vector<16xi32> to vector<16xi32>
    tpu.vector_store %arg11[%swap3A_65], %swap3A_68 {strides = array<i32>} : memref<128xi32, #tpu.memory_space<vmem>>, vector<16xi32>,
    %get3A_69 = arith.constant 64 : index
    %get3A_70 = tpu.vector_load %arg9[%get3A_69] {strides = array<i32>} : memref<128xi32, #tpu.memory_space<vmem>>, vector<16xi32>,
    %get3A_71 = vector.shape_cast %get3A_70 : vector<16xi32> to vector<16xi32>
    %swap3A_72 = arith.constant 64 : index
    %swap3A_73 = tpu.vector_load %arg11[%swap3A_72] {strides = array<i32>} : memref<128xi32, #tpu.memory_space<vmem>>, vector<16xi32>,
    %swap3A_74 = vector.shape_cast %swap3A_73 : vector<16xi32> to vector<16xi32>
    %swap3A_75 = vector.shape_cast %get3A_71 : vector<16xi32> to vector<16xi32>
    tpu.vector_store %arg11[%swap3A_72], %swap3A_75 {strides = array<i32>} : memref<128xi32, #tpu.memory_space<vmem>>, vector<16xi32>,
    %get3A_76 = arith.constant 80 : index
    %get3A_77 = tpu.vector_load %arg9[%get3A_76] {strides = array<i32>} : memref<128xi32, #tpu.memory_space<vmem>>, vector<16xi32>,
    %get3A_78 = vector.shape_cast %get3A_77 : vector<16xi32> to vector<16xi32>
    %swap3A_79 = arith.constant 80 : index
    %swap3A_80 = tpu.vector_load %arg11[%swap3A_79] {strides = array<i32>} : memref<128xi32, #tpu.memory_space<vmem>>, vector<16xi32>,
    %swap3A_81 = vector.shape_cast %swap3A_80 : vector<16xi32> to vector<16xi32>
    %swap3A_82 = vector.shape_cast %get3A_78 : vector<16xi32> to vector<16xi32>
    tpu.vector_store %arg11[%swap3A_79], %swap3A_82 {strides = array<i32>} : memref<128xi32, #tpu.memory_space<vmem>>, vector<16xi32>,
    %get3A_83 = arith.constant 96 : index
    %get3A_84 = tpu.vector_load %arg9[%get3A_83] {strides = array<i32>} : memref<128xi32, #tpu.memory_space<vmem>>, vector<16xi32>,
    %get3A_85 = vector.shape_cast %get3A_84 : vector<16xi32> to vector<16xi32>
    %swap3A_86 = arith.constant 96 : index
    %swap3A_87 = tpu.vector_load %arg11[%swap3A_86] {strides = array<i32>} : memref<128xi32, #tpu.memory_space<vmem>>, vector<16xi32>,
    %swap3A_88 = vector.shape_cast %swap3A_87 : vector<16xi32> to vector<16xi32>
    %swap3A_89 = vector.shape_cast %get3A_85 : vector<16xi32> to vector<16xi32>
    tpu.vector_store %arg11[%swap3A_86], %swap3A_89 {strides = array<i32>} : memref<128xi32, #tpu.memory_space<vmem>>, vector<16xi32>,
    %get3A_90 = arith.constant 112 : index
    %get3A_91 = tpu.vector_load %arg9[%get3A_90] {strides = array<i32>} : memref<128xi32, #tpu.memory_space<vmem>>, vector<16xi32>,
    %get3A_92 = vector.shape_cast %get3A_91 : vector<16xi32> to vector<16xi32>
    %swap3A_93 = arith.constant 112 : index
    %swap3A_94 = tpu.vector_load %arg11[%swap3A_93] {strides = array<i32>} : memref<128xi32, #tpu.memory_space<vmem>>, vector<16xi32>,
    %swap3A_95 = vector.shape_cast %swap3A_94 : vector<16xi32> to vector<16xi32>
    %swap3A_96 = vector.shape_cast %get3A_92 : vector<16xi32> to vector<16xi32>
    tpu.vector_store %arg11[%swap3A_93], %swap3A_96 {strides = array<i32>} : memref<128xi32, #tpu.memory_space<vmem>>, vector<16xi32>,
    %dma_start3A_97 = arith.constant 0 : i32
    %dma_start3A_98 = arith.constant 0 : i32
    %dma_start3A_99 = tpu.memref_slice %arg18[%dma_start3A_97, %dma_start3A_98] : memref<10000x128xf32, #tpu.memory_space<vmem_shared>> -> memref<10000x128xf32, #tpu.memory_space<vmem_shared>>
    tpu.enqueue_indirect_dma source(%arg13 : memref<128x128xf32, #tpu.memory_space<vmem>>) target(%dma_start3A_99 : memref<10000x128xf32, #tpu.memory_space<vmem_shared>>) offsets(%arg11 : memref<128xi32, #tpu.memory_space<vmem>>) semaphore(%arg23 : memref<!tpu.dma_semaphore, #tpu.memory_space<semaphore_mem>>) {add = true}
    %add3A_100 = arith.constant 256 : i32
    %add3A_101 = arith.addi %mul3A_6, %add3A_100 : i32
    %min3A_102 = arith.constant 319872 : i32
    %min3A_103 = arith.minsi %add3A_101, %min3A_102 : i32
    %dma_start3A_104 = tpu.memref_slice %arg3[%min3A_103] : memref<320000xi32, #tpu.memory_space<hbm>> -> memref<128xi32, #tpu.memory_space<hbm>>
    %dma_start3A_105 = tpu.memref_slice %arg3[%min3A_103] : memref<320000xi32, #tpu.memory_space<hbm>> -> memref<128xi32, #tpu.memory_space<hbm>>
    tpu.enqueue_dma source(%dma_start3A_105 : memref<128xi32, #tpu.memory_space<hbm>>) target(%arg7 : memref<128xi32, #tpu.memory_space<vmem>>) target_semaphore(%arg19 : memref<!tpu.dma_semaphore, #tpu.memory_space<semaphore_mem>>)
    %dma_start3A_106 = tpu.memref_slice %arg4[%min3A_103] : memref<320000xi32, #tpu.memory_space<hbm>> -> memref<128xi32, #tpu.memory_space<hbm>>
    %dma_start3A_107 = tpu.memref_slice %arg4[%min3A_103] : memref<320000xi32, #tpu.memory_space<hbm>> -> memref<128xi32, #tpu.memory_space<hbm>>
    tpu.enqueue_dma source(%dma_start3A_107 : memref<128xi32, #tpu.memory_space<hbm>>) target(%arg9 : memref<128xi32, #tpu.memory_space<vmem>>) target_semaphore(%arg19 : memref<!tpu.dma_semaphore, #tpu.memory_space<semaphore_mem>>)
    %scan3A = arith.constant 0 : i32
    %scan3A_108 = arith.constant 1 : i32
    %scan3A_109 = arith.constant 38 : i32
    %scan3A_110 = arith.addi %scan3A_108, %scan3A_109 : i32
    %scan3A_111 = arith.constant 1 : i32
    scf.for %scan3A_203 = %scan3A_108 to %scan3A_110 step %scan3A_111  : i32 {
      %mul3A_204 = arith.constant 2 : i32
      %mul3A_205 = arith.muli %mul3A_204, %scan3A_203 : i32
      %dma_wait3A_206 = arith.constant 0 : i32
      %dma_wait3A_207 = arith.constant 0 : i32
      %dma_wait3A_208 = tpu.memref_slice %arg18[%dma_wait3A_206, %dma_wait3A_207] : memref<10000x128xf32, #tpu.memory_space<vmem_shared>> -> memref<10000x128xf32, #tpu.memory_space<vmem_shared>>
      tpu.wait_indirect_dma semaphore(%arg23 : memref<!tpu.dma_semaphore, #tpu.memory_space<semaphore_mem>>) src(%arg13 : memref<128x128xf32, #tpu.memory_space<vmem>>) dst(%dma_wait3A_208 : memref<10000x128xf32, #tpu.memory_space<vmem_shared>>)
      %dma_wait3A_209 = arith.constant 0 : i32
      %dma_wait3A_210 = tpu.memref_slice %arg3[%dma_wait3A_209] : memref<320000xi32, #tpu.memory_space<hbm>> -> memref<128xi32, #tpu.memory_space<hbm>>
      %dma_wait3A_211 = arith.constant 0 : i32
      %dma_wait3A_212 = tpu.memref_slice %arg3[%dma_wait3A_211] : memref<320000xi32, #tpu.memory_space<hbm>> -> memref<128xi32, #tpu.memory_space<hbm>>
      tpu.wait_dma2 semaphore(%arg19 : memref<!tpu.dma_semaphore, #tpu.memory_space<semaphore_mem>>) src(%dma_wait3A_212 : memref<128xi32, #tpu.memory_space<hbm>>) dst(%arg7 : memref<128xi32, #tpu.memory_space<vmem>>)
      %dma_wait3A_213 = arith.constant 0 : i32
      %dma_wait3A_214 = tpu.memref_slice %arg4[%dma_wait3A_213] : memref<320000xi32, #tpu.memory_space<hbm>> -> memref<128xi32, #tpu.memory_space<hbm>>
      %dma_wait3A_215 = arith.constant 0 : i32
      %dma_wait3A_216 = tpu.memref_slice %arg4[%dma_wait3A_215] : memref<320000xi32, #tpu.memory_space<hbm>> -> memref<128xi32, #tpu.memory_space<hbm>>
      tpu.wait_dma2 semaphore(%arg19 : memref<!tpu.dma_semaphore, #tpu.memory_space<semaphore_mem>>) src(%dma_wait3A_216 : memref<128xi32, #tpu.memory_space<hbm>>) dst(%arg9 : memref<128xi32, #tpu.memory_space<vmem>>)
      %dma_start3A_217 = arith.constant 0 : i32
      %dma_start3A_218 = arith.constant 0 : i32
      %dma_start3A_219 = tpu.memref_slice %arg2[%dma_start3A_217, %dma_start3A_218] : memref<10000x128xf32, #tpu.memory_space<hbm>> -> memref<10000x128xf32, #tpu.memory_space<hbm>>
      tpu.enqueue_indirect_dma source(%dma_start3A_219 : memref<10000x128xf32, #tpu.memory_space<hbm>>) target(%arg13 : memref<128x128xf32, #tpu.memory_space<vmem>>) offsets(%arg7 : memref<128xi32, #tpu.memory_space<vmem>>) semaphore(%arg21 : memref<!tpu.dma_semaphore, #tpu.memory_space<semaphore_mem>>)
      %dma_wait3A_220 = arith.constant 0 : i32
      %dma_wait3A_221 = arith.constant 0 : i32
      %dma_wait3A_222 = tpu.memref_slice %arg2[%dma_wait3A_220, %dma_wait3A_221] : memref<10000x128xf32, #tpu.memory_space<hbm>> -> memref<10000x128xf32, #tpu.memory_space<hbm>>
      tpu.wait_indirect_dma semaphore(%arg22 : memref<!tpu.dma_semaphore, #tpu.memory_space<semaphore_mem>>) src(%dma_wait3A_222 : memref<10000x128xf32, #tpu.memory_space<hbm>>) dst(%arg14 : memref<128x128xf32, #tpu.memory_space<vmem>>)
      %get3A_223 = arith.constant 0 : index
      %get3A_224 = tpu.vector_load %arg10[%get3A_223] {strides = array<i32>} : memref<128xi32, #tpu.memory_space<vmem>>, vector<16xi32>,
      %get3A_225 = vector.shape_cast %get3A_224 : vector<16xi32> to vector<16xi32>
      %swap3A_226 = arith.constant 0 : index
      %swap3A_227 = tpu.vector_load %arg12[%swap3A_226] {strides = array<i32>} : memref<128xi32, #tpu.memory_space<vmem>>, vector<16xi32>,
      %swap3A_228 = vector.shape_cast %swap3A_227 : vector<16xi32> to vector<16xi32>
      %swap3A_229 = vector.shape_cast %get3A_225 : vector<16xi32> to vector<16xi32>
      tpu.vector_store %arg12[%swap3A_226], %swap3A_229 {strides = array<i32>} : memref<128xi32, #tpu.memory_space<vmem>>, vector<16xi32>,
      %get3A_230 = arith.constant 16 : index
      %get3A_231 = tpu.vector_load %arg10[%get3A_230] {strides = array<i32>} : memref<128xi32, #tpu.memory_space<vmem>>, vector<16xi32>,
      %get3A_232 = vector.shape_cast %get3A_231 : vector<16xi32> to vector<16xi32>
      %swap3A_233 = arith.constant 16 : index
      %swap3A_234 = tpu.vector_load %arg12[%swap3A_233] {strides = array<i32>} : memref<128xi32, #tpu.memory_space<vmem>>, vector<16xi32>,
      %swap3A_235 = vector.shape_cast %swap3A_234 : vector<16xi32> to vector<16xi32>
      %swap3A_236 = vector.shape_cast %get3A_232 : vector<16xi32> to vector<16xi32>
      tpu.vector_store %arg12[%swap3A_233], %swap3A_236 {strides = array<i32>} : memref<128xi32, #tpu.memory_space<vmem>>, vector<16xi32>,
      %get3A_237 = arith.constant 32 : index
      %get3A_238 = tpu.vector_load %arg10[%get3A_237] {strides = array<i32>} : memref<128xi32, #tpu.memory_space<vmem>>, vector<16xi32>,
      %get3A_239 = vector.shape_cast %get3A_238 : vector<16xi32> to vector<16xi32>
      %swap3A_240 = arith.constant 32 : index
      %swap3A_241 = tpu.vector_load %arg12[%swap3A_240] {strides = array<i32>} : memref<128xi32, #tpu.memory_space<vmem>>, vector<16xi32>,
      %swap3A_242 = vector.shape_cast %swap3A_241 : vector<16xi32> to vector<16xi32>
      %swap3A_243 = vector.shape_cast %get3A_239 : vector<16xi32> to vector<16xi32>
      tpu.vector_store %arg12[%swap3A_240], %swap3A_243 {strides = array<i32>} : memref<128xi32, #tpu.memory_space<vmem>>, vector<16xi32>,
      %get3A_244 = arith.constant 48 : index
      %get3A_245 = tpu.vector_load %arg10[%get3A_244] {strides = array<i32>} : memref<128xi32, #tpu.memory_space<vmem>>, vector<16xi32>,
      %get3A_246 = vector.shape_cast %get3A_245 : vector<16xi32> to vector<16xi32>
      %swap3A_247 = arith.constant 48 : index
      %swap3A_248 = tpu.vector_load %arg12[%swap3A_247] {strides = array<i32>} : memref<128xi32, #tpu.memory_space<vmem>>, vector<16xi32>,
      %swap3A_249 = vector.shape_cast %swap3A_248 : vector<16xi32> to vector<16xi32>
      %swap3A_250 = vector.shape_cast %get3A_246 : vector<16xi32> to vector<16xi32>
      tpu.vector_store %arg12[%swap3A_247], %swap3A_250 {strides = array<i32>} : memref<128xi32, #tpu.memory_space<vmem>>, vector<16xi32>,
      %get3A_251 = arith.constant 64 : index
      %get3A_252 = tpu.vector_load %arg10[%get3A_251] {strides = array<i32>} : memref<128xi32, #tpu.memory_space<vmem>>, vector<16xi32>,
      %get3A_253 = vector.shape_cast %get3A_252 : vector<16xi32> to vector<16xi32>
      %swap3A_254 = arith.constant 64 : index
      %swap3A_255 = tpu.vector_load %arg12[%swap3A_254] {strides = array<i32>} : memref<128xi32, #tpu.memory_space<vmem>>, vector<16xi32>,
      %swap3A_256 = vector.shape_cast %swap3A_255 : vector<16xi32> to vector<16xi32>
      %swap3A_257 = vector.shape_cast %get3A_253 : vector<16xi32> to vector<16xi32>
      tpu.vector_store %arg12[%swap3A_254], %swap3A_257 {strides = array<i32>} : memref<128xi32, #tpu.memory_space<vmem>>, vector<16xi32>,
      %get3A_258 = arith.constant 80 : index
      %get3A_259 = tpu.vector_load %arg10[%get3A_258] {strides = array<i32>} : memref<128xi32, #tpu.memory_space<vmem>>, vector<16xi32>,
      %get3A_260 = vector.shape_cast %get3A_259 : vector<16xi32> to vector<16xi32>
      %swap3A_261 = arith.constant 80 : index
      %swap3A_262 = tpu.vector_load %arg12[%swap3A_261] {strides = array<i32>} : memref<128xi32, #tpu.memory_space<vmem>>, vector<16xi32>,
      %swap3A_263 = vector.shape_cast %swap3A_262 : vector<16xi32> to vector<16xi32>
      %swap3A_264 = vector.shape_cast %get3A_260 : vector<16xi32> to vector<16xi32>
      tpu.vector_store %arg12[%swap3A_261], %swap3A_264 {strides = array<i32>} : memref<128xi32, #tpu.memory_space<vmem>>, vector<16xi32>,
      %get3A_265 = arith.constant 96 : index
      %get3A_266 = tpu.vector_load %arg10[%get3A_265] {strides = array<i32>} : memref<128xi32, #tpu.memory_space<vmem>>, vector<16xi32>,
      %get3A_267 = vector.shape_cast %get3A_266 : vector<16xi32> to vector<16xi32>
      %swap3A_268 = arith.constant 96 : index
      %swap3A_269 = tpu.vector_load %arg12[%swap3A_268] {strides = array<i32>} : memref<128xi32, #tpu.memory_space<vmem>>, vector<16xi32>,
      %swap3A_270 = vector.shape_cast %swap3A_269 : vector<16xi32> to vector<16xi32>
      %swap3A_271 = vector.shape_cast %get3A_267 : vector<16xi32> to vector<16xi32>
      tpu.vector_store %arg12[%swap3A_268], %swap3A_271 {strides = array<i32>} : memref<128xi32, #tpu.memory_space<vmem>>, vector<16xi32>,
      %get3A_272 = arith.constant 112 : index
      %get3A_273 = tpu.vector_load %arg10[%get3A_272] {strides = array<i32>} : memref<128xi32, #tpu.memory_space<vmem>>, vector<16xi32>,
      %get3A_274 = vector.shape_cast %get3A_273 : vector<16xi32> to vector<16xi32>
      %swap3A_275 = arith.constant 112 : index
      %swap3A_276 = tpu.vector_load %arg12[%swap3A_275] {strides = array<i32>} : memref<128xi32, #tpu.memory_space<vmem>>, vector<16xi32>,
      %swap3A_277 = vector.shape_cast %swap3A_276 : vector<16xi32> to vector<16xi32>
      %swap3A_278 = vector.shape_cast %get3A_274 : vector<16xi32> to vector<16xi32>
      tpu.vector_store %arg12[%swap3A_275], %swap3A_278 {strides = array<i32>} : memref<128xi32, #tpu.memory_space<vmem>>, vector<16xi32>,
      %dma_start3A_279 = arith.constant 0 : i32
      %dma_start3A_280 = arith.constant 0 : i32
      %dma_start3A_281 = tpu.memref_slice %arg18[%dma_start3A_279, %dma_start3A_280] : memref<10000x128xf32, #tpu.memory_space<vmem_shared>> -> memref<10000x128xf32, #tpu.memory_space<vmem_shared>>
      tpu.enqueue_indirect_dma source(%arg14 : memref<128x128xf32, #tpu.memory_space<vmem>>) target(%dma_start3A_281 : memref<10000x128xf32, #tpu.memory_space<vmem_shared>>) offsets(%arg12 : memref<128xi32, #tpu.memory_space<vmem>>) semaphore(%arg24 : memref<!tpu.dma_semaphore, #tpu.memory_space<semaphore_mem>>) {add = true}
      %add3A_282 = arith.constant 1 : i32
      %add3A_283 = arith.addi %mul3A_205, %add3A_282 : i32
      %mul3A_284 = arith.constant 128 : i32
      %mul3A_285 = arith.muli %add3A_283, %mul3A_284 : i32
      %add3A_286 = arith.addi %mul3A_6, %mul3A_285 : i32
      %min3A_287 = arith.constant 319872 : i32
      %min3A_288 = arith.minsi %add3A_286, %min3A_287 : i32
      %dma_start3A_289 = tpu.memref_slice %arg3[%min3A_288] : memref<320000xi32, #tpu.memory_space<hbm>> -> memref<128xi32, #tpu.memory_space<hbm>>
      %dma_start3A_290 = tpu.memref_slice %arg3[%min3A_288] : memref<320000xi32, #tpu.memory_space<hbm>> -> memref<128xi32, #tpu.memory_space<hbm>>
      tpu.enqueue_dma source(%dma_start3A_290 : memref<128xi32, #tpu.memory_space<hbm>>) target(%arg8 : memref<128xi32, #tpu.memory_space<vmem>>) target_semaphore(%arg20 : memref<!tpu.dma_semaphore, #tpu.memory_space<semaphore_mem>>)
      %dma_start3A_291 = tpu.memref_slice %arg4[%min3A_288] : memref<320000xi32, #tpu.memory_space<hbm>> -> memref<128xi32, #tpu.memory_space<hbm>>
      %dma_start3A_292 = tpu.memref_slice %arg4[%min3A_288] : memref<320000xi32, #tpu.memory_space<hbm>> -> memref<128xi32, #tpu.memory_space<hbm>>
      tpu.enqueue_dma source(%dma_start3A_292 : memref<128xi32, #tpu.memory_space<hbm>>) target(%arg10 : memref<128xi32, #tpu.memory_space<vmem>>) target_semaphore(%arg20 : memref<!tpu.dma_semaphore, #tpu.memory_space<semaphore_mem>>)
      %mul3A_293 = arith.constant 2 : i32
      %mul3A_294 = arith.muli %mul3A_293, %scan3A_203 : i32
      %add3A_295 = arith.constant 1 : i32
      %add3A_296 = arith.addi %mul3A_294, %add3A_295 : i32
      %dma_wait3A_297 = arith.constant 0 : i32
      %dma_wait3A_298 = arith.constant 0 : i32
      %dma_wait3A_299 = tpu.memref_slice %arg18[%dma_wait3A_297, %dma_wait3A_298] : memref<10000x128xf32, #tpu.memory_space<vmem_shared>> -> memref<10000x128xf32, #tpu.memory_space<vmem_shared>>
      tpu.wait_indirect_dma semaphore(%arg24 : memref<!tpu.dma_semaphore, #tpu.memory_space<semaphore_mem>>) src(%arg14 : memref<128x128xf32, #tpu.memory_space<vmem>>) dst(%dma_wait3A_299 : memref<10000x128xf32, #tpu.memory_space<vmem_shared>>)
      %dma_wait3A_300 = arith.constant 0 : i32
      %dma_wait3A_301 = tpu.memref_slice %arg3[%dma_wait3A_300] : memref<320000xi32, #tpu.memory_space<hbm>> -> memref<128xi32, #tpu.memory_space<hbm>>
      %dma_wait3A_302 = arith.constant 0 : i32
      %dma_wait3A_303 = tpu.memref_slice %arg3[%dma_wait3A_302] : memref<320000xi32, #tpu.memory_space<hbm>> -> memref<128xi32, #tpu.memory_space<hbm>>
      tpu.wait_dma2 semaphore(%arg20 : memref<!tpu.dma_semaphore, #tpu.memory_space<semaphore_mem>>) src(%dma_wait3A_303 : memref<128xi32, #tpu.memory_space<hbm>>) dst(%arg8 : memref<128xi32, #tpu.memory_space<vmem>>)
      %dma_wait3A_304 = arith.constant 0 : i32
      %dma_wait3A_305 = tpu.memref_slice %arg4[%dma_wait3A_304] : memref<320000xi32, #tpu.memory_space<hbm>> -> memref<128xi32, #tpu.memory_space<hbm>>
      %dma_wait3A_306 = arith.constant 0 : i32
      %dma_wait3A_307 = tpu.memref_slice %arg4[%dma_wait3A_306] : memref<320000xi32, #tpu.memory_space<hbm>> -> memref<128xi32, #tpu.memory_space<hbm>>
      tpu.wait_dma2 semaphore(%arg20 : memref<!tpu.dma_semaphore, #tpu.memory_space<semaphore_mem>>) src(%dma_wait3A_307 : memref<128xi32, #tpu.memory_space<hbm>>) dst(%arg10 : memref<128xi32, #tpu.memory_space<vmem>>)
      %dma_start3A_308 = arith.constant 0 : i32
      %dma_start3A_309 = arith.constant 0 : i32
      %dma_start3A_310 = tpu.memref_slice %arg2[%dma_start3A_308, %dma_start3A_309] : memref<10000x128xf32, #tpu.memory_space<hbm>> -> memref<10000x128xf32, #tpu.memory_space<hbm>>
      tpu.enqueue_indirect_dma source(%dma_start3A_310 : memref<10000x128xf32, #tpu.memory_space<hbm>>) target(%arg14 : memref<128x128xf32, #tpu.memory_space<vmem>>) offsets(%arg8 : memref<128xi32, #tpu.memory_space<vmem>>) semaphore(%arg22 : memref<!tpu.dma_semaphore, #tpu.memory_space<semaphore_mem>>)
      %dma_wait3A_311 = arith.constant 0 : i32
      %dma_wait3A_312 = arith.constant 0 : i32
      %dma_wait3A_313 = tpu.memref_slice %arg2[%dma_wait3A_311, %dma_wait3A_312] : memref<10000x128xf32, #tpu.memory_space<hbm>> -> memref<10000x128xf32, #tpu.memory_space<hbm>>
      tpu.wait_indirect_dma semaphore(%arg21 : memref<!tpu.dma_semaphore, #tpu.memory_space<semaphore_mem>>) src(%dma_wait3A_313 : memref<10000x128xf32, #tpu.memory_space<hbm>>) dst(%arg13 : memref<128x128xf32, #tpu.memory_space<vmem>>)
      %get3A_314 = arith.constant 0 : index
      %get3A_315 = tpu.vector_load %arg9[%get3A_314] {strides = array<i32>} : memref<128xi32, #tpu.memory_space<vmem>>, vector<16xi32>,
      %get3A_316 = vector.shape_cast %get3A_315 : vector<16xi32> to vector<16xi32>
      %swap3A_317 = arith.constant 0 : index
      %swap3A_318 = tpu.vector_load %arg11[%swap3A_317] {strides = array<i32>} : memref<128xi32, #tpu.memory_space<vmem>>, vector<16xi32>,
      %swap3A_319 = vector.shape_cast %swap3A_318 : vector<16xi32> to vector<16xi32>
      %swap3A_320 = vector.shape_cast %get3A_316 : vector<16xi32> to vector<16xi32>
      tpu.vector_store %arg11[%swap3A_317], %swap3A_320 {strides = array<i32>} : memref<128xi32, #tpu.memory_space<vmem>>, vector<16xi32>,
      %get3A_321 = arith.constant 16 : index
      %get3A_322 = tpu.vector_load %arg9[%get3A_321] {strides = array<i32>} : memref<128xi32, #tpu.memory_space<vmem>>, vector<16xi32>,
      %get3A_323 = vector.shape_cast %get3A_322 : vector<16xi32> to vector<16xi32>
      %swap3A_324 = arith.constant 16 : index
      %swap3A_325 = tpu.vector_load %arg11[%swap3A_324] {strides = array<i32>} : memref<128xi32, #tpu.memory_space<vmem>>, vector<16xi32>,
      %swap3A_326 = vector.shape_cast %swap3A_325 : vector<16xi32> to vector<16xi32>
      %swap3A_327 = vector.shape_cast %get3A_323 : vector<16xi32> to vector<16xi32>
      tpu.vector_store %arg11[%swap3A_324], %swap3A_327 {strides = array<i32>} : memref<128xi32, #tpu.memory_space<vmem>>, vector<16xi32>,
      %get3A_328 = arith.constant 32 : index
      %get3A_329 = tpu.vector_load %arg9[%get3A_328] {strides = array<i32>} : memref<128xi32, #tpu.memory_space<vmem>>, vector<16xi32>,
      %get3A_330 = vector.shape_cast %get3A_329 : vector<16xi32> to vector<16xi32>
      %swap3A_331 = arith.constant 32 : index
      %swap3A_332 = tpu.vector_load %arg11[%swap3A_331] {strides = array<i32>} : memref<128xi32, #tpu.memory_space<vmem>>, vector<16xi32>,
      %swap3A_333 = vector.shape_cast %swap3A_332 : vector<16xi32> to vector<16xi32>
      %swap3A_334 = vector.shape_cast %get3A_330 : vector<16xi32> to vector<16xi32>
      tpu.vector_store %arg11[%swap3A_331], %swap3A_334 {strides = array<i32>} : memref<128xi32, #tpu.memory_space<vmem>>, vector<16xi32>,
      %get3A_335 = arith.constant 48 : index
      %get3A_336 = tpu.vector_load %arg9[%get3A_335] {strides = array<i32>} : memref<128xi32, #tpu.memory_space<vmem>>, vector<16xi32>,
      %get3A_337 = vector.shape_cast %get3A_336 : vector<16xi32> to vector<16xi32>
      %swap3A_338 = arith.constant 48 : index
      %swap3A_339 = tpu.vector_load %arg11[%swap3A_338] {strides = array<i32>} : memref<128xi32, #tpu.memory_space<vmem>>, vector<16xi32>,
      %swap3A_340 = vector.shape_cast %swap3A_339 : vector<16xi32> to vector<16xi32>
      %swap3A_341 = vector.shape_cast %get3A_337 : vector<16xi32> to vector<16xi32>
      tpu.vector_store %arg11[%swap3A_338], %swap3A_341 {strides = array<i32>} : memref<128xi32, #tpu.memory_space<vmem>>, vector<16xi32>,
      %get3A_342 = arith.constant 64 : index
      %get3A_343 = tpu.vector_load %arg9[%get3A_342] {strides = array<i32>} : memref<128xi32, #tpu.memory_space<vmem>>, vector<16xi32>,
      %get3A_344 = vector.shape_cast %get3A_343 : vector<16xi32> to vector<16xi32>
      %swap3A_345 = arith.constant 64 : index
      %swap3A_346 = tpu.vector_load %arg11[%swap3A_345] {strides = array<i32>} : memref<128xi32, #tpu.memory_space<vmem>>, vector<16xi32>,
      %swap3A_347 = vector.shape_cast %swap3A_346 : vector<16xi32> to vector<16xi32>
      %swap3A_348 = vector.shape_cast %get3A_344 : vector<16xi32> to vector<16xi32>
      tpu.vector_store %arg11[%swap3A_345], %swap3A_348 {strides = array<i32>} : memref<128xi32, #tpu.memory_space<vmem>>, vector<16xi32>,
      %get3A_349 = arith.constant 80 : index
      %get3A_350 = tpu.vector_load %arg9[%get3A_349] {strides = array<i32>} : memref<128xi32, #tpu.memory_space<vmem>>, vector<16xi32>,
      %get3A_351 = vector.shape_cast %get3A_350 : vector<16xi32> to vector<16xi32>
      %swap3A_352 = arith.constant 80 : index
      %swap3A_353 = tpu.vector_load %arg11[%swap3A_352] {strides = array<i32>} : memref<128xi32, #tpu.memory_space<vmem>>, vector<16xi32>,
      %swap3A_354 = vector.shape_cast %swap3A_353 : vector<16xi32> to vector<16xi32>
      %swap3A_355 = vector.shape_cast %get3A_351 : vector<16xi32> to vector<16xi32>
      tpu.vector_store %arg11[%swap3A_352], %swap3A_355 {strides = array<i32>} : memref<128xi32, #tpu.memory_space<vmem>>, vector<16xi32>,
      %get3A_356 = arith.constant 96 : index
      %get3A_357 = tpu.vector_load %arg9[%get3A_356] {strides = array<i32>} : memref<128xi32, #tpu.memory_space<vmem>>, vector<16xi32>,
      %get3A_358 = vector.shape_cast %get3A_357 : vector<16xi32> to vector<16xi32>
      %swap3A_359 = arith.constant 96 : index
      %swap3A_360 = tpu.vector_load %arg11[%swap3A_359] {strides = array<i32>} : memref<128xi32, #tpu.memory_space<vmem>>, vector<16xi32>,
      %swap3A_361 = vector.shape_cast %swap3A_360 : vector<16xi32> to vector<16xi32>
      %swap3A_362 = vector.shape_cast %get3A_358 : vector<16xi32> to vector<16xi32>
      tpu.vector_store %arg11[%swap3A_359], %swap3A_362 {strides = array<i32>} : memref<128xi32, #tpu.memory_space<vmem>>, vector<16xi32>,
      %get3A_363 = arith.constant 112 : index
      %get3A_364 = tpu.vector_load %arg9[%get3A_363] {strides = array<i32>} : memref<128xi32, #tpu.memory_space<vmem>>, vector<16xi32>,
      %get3A_365 = vector.shape_cast %get3A_364 : vector<16xi32> to vector<16xi32>
      %swap3A_366 = arith.constant 112 : index
      %swap3A_367 = tpu.vector_load %arg11[%swap3A_366] {strides = array<i32>} : memref<128xi32, #tpu.memory_space<vmem>>, vector<16xi32>,
      %swap3A_368 = vector.shape_cast %swap3A_367 : vector<16xi32> to vector<16xi32>
      %swap3A_369 = vector.shape_cast %get3A_365 : vector<16xi32> to vector<16xi32>
      tpu.vector_store %arg11[%swap3A_366], %swap3A_369 {strides = array<i32>} : memref<128xi32, #tpu.memory_space<vmem>>, vector<16xi32>,
      %dma_start3A_370 = arith.constant 0 : i32
      %dma_start3A_371 = arith.constant 0 : i32
      %dma_start3A_372 = tpu.memref_slice %arg18[%dma_start3A_370, %dma_start3A_371] : memref<10000x128xf32, #tpu.memory_space<vmem_shared>> -> memref<10000x128xf32, #tpu.memory_space<vmem_shared>>
      tpu.enqueue_indirect_dma source(%arg13 : memref<128x128xf32, #tpu.memory_space<vmem>>) target(%dma_start3A_372 : memref<10000x128xf32, #tpu.memory_space<vmem_shared>>) offsets(%arg11 : memref<128xi32, #tpu.memory_space<vmem>>) semaphore(%arg23 : memref<!tpu.dma_semaphore, #tpu.memory_space<semaphore_mem>>) {add = true}
      %add3A_373 = arith.constant 1 : i32
      %add3A_374 = arith.addi %add3A_296, %add3A_373 : i32
      %mul3A_375 = arith.constant 128 : i32
      %mul3A_376 = arith.muli %add3A_374, %mul3A_375 : i32
      %add3A_377 = arith.addi %mul3A_6, %mul3A_376 : i32
      %min3A_378 = arith.constant 319872 : i32
      %min3A_379 = arith.minsi %add3A_377, %min3A_378 : i32
      %dma_start3A_380 = tpu.memref_slice %arg3[%min3A_379] : memref<320000xi32, #tpu.memory_space<hbm>> -> memref<128xi32, #tpu.memory_space<hbm>>
      %dma_start3A_381 = tpu.memref_slice %arg3[%min3A_379] : memref<320000xi32, #tpu.memory_space<hbm>> -> memref<128xi32, #tpu.memory_space<hbm>>
      tpu.enqueue_dma source(%dma_start3A_381 : memref<128xi32, #tpu.memory_space<hbm>>) target(%arg7 : memref<128xi32, #tpu.memory_space<vmem>>) target_semaphore(%arg19 : memref<!tpu.dma_semaphore, #tpu.memory_space<semaphore_mem>>)
      %dma_start3A_382 = tpu.memref_slice %arg4[%min3A_379] : memref<320000xi32, #tpu.memory_space<hbm>> -> memref<128xi32, #tpu.memory_space<hbm>>
      %dma_start3A_383 = tpu.memref_slice %arg4[%min3A_379] : memref<320000xi32, #tpu.memory_space<hbm>> -> memref<128xi32, #tpu.memory_space<hbm>>
      tpu.enqueue_dma source(%dma_start3A_383 : memref<128xi32, #tpu.memory_space<hbm>>) target(%arg9 : memref<128xi32, #tpu.memory_space<vmem>>) target_semaphore(%arg19 : memref<!tpu.dma_semaphore, #tpu.memory_space<semaphore_mem>>)
    }
    %scan3A_112 = arith.constant 38 : i32
    %dma_wait3A_113 = arith.constant 0 : i32
    %dma_wait3A_114 = arith.constant 0 : i32
    %dma_wait3A_115 = tpu.memref_slice %arg2[%dma_wait3A_113, %dma_wait3A_114] : memref<10000x128xf32, #tpu.memory_space<hbm>> -> memref<10000x128xf32, #tpu.memory_space<hbm>>
    tpu.wait_indirect_dma semaphore(%arg22 : memref<!tpu.dma_semaphore, #tpu.memory_space<semaphore_mem>>) src(%dma_wait3A_115 : memref<10000x128xf32, #tpu.memory_space<hbm>>) dst(%arg14 : memref<128x128xf32, #tpu.memory_space<vmem>>)
    %get3A_116 = arith.constant 0 : index
    %get3A_117 = tpu.vector_load %arg10[%get3A_116] {strides = array<i32>} : memref<128xi32, #tpu.memory_space<vmem>>, vector<16xi32>,
    %get3A_118 = vector.shape_cast %get3A_117 : vector<16xi32> to vector<16xi32>
    %swap3A_119 = arith.constant 0 : index
    %swap3A_120 = tpu.vector_load %arg12[%swap3A_119] {strides = array<i32>} : memref<128xi32, #tpu.memory_space<vmem>>, vector<16xi32>,
    %swap3A_121 = vector.shape_cast %swap3A_120 : vector<16xi32> to vector<16xi32>
    %swap3A_122 = vector.shape_cast %get3A_118 : vector<16xi32> to vector<16xi32>
    tpu.vector_store %arg12[%swap3A_119], %swap3A_122 {strides = array<i32>} : memref<128xi32, #tpu.memory_space<vmem>>, vector<16xi32>,
    %get3A_123 = arith.constant 16 : index
    %get3A_124 = tpu.vector_load %arg10[%get3A_123] {strides = array<i32>} : memref<128xi32, #tpu.memory_space<vmem>>, vector<16xi32>,
    %get3A_125 = vector.shape_cast %get3A_124 : vector<16xi32> to vector<16xi32>
    %swap3A_126 = arith.constant 16 : index
    %swap3A_127 = tpu.vector_load %arg12[%swap3A_126] {strides = array<i32>} : memref<128xi32, #tpu.memory_space<vmem>>, vector<16xi32>,
    %swap3A_128 = vector.shape_cast %swap3A_127 : vector<16xi32> to vector<16xi32>
    %swap3A_129 = vector.shape_cast %get3A_125 : vector<16xi32> to vector<16xi32>
    tpu.vector_store %arg12[%swap3A_126], %swap3A_129 {strides = array<i32>} : memref<128xi32, #tpu.memory_space<vmem>>, vector<16xi32>,
    %get3A_130 = arith.constant 32 : index
    %get3A_131 = tpu.vector_load %arg10[%get3A_130] {strides = array<i32>} : memref<128xi32, #tpu.memory_space<vmem>>, vector<16xi32>,
    %get3A_132 = vector.shape_cast %get3A_131 : vector<16xi32> to vector<16xi32>
    %swap3A_133 = arith.constant 32 : index
    %swap3A_134 = tpu.vector_load %arg12[%swap3A_133] {strides = array<i32>} : memref<128xi32, #tpu.memory_space<vmem>>, vector<16xi32>,
    %swap3A_135 = vector.shape_cast %swap3A_134 : vector<16xi32> to vector<16xi32>
    %swap3A_136 = vector.shape_cast %get3A_132 : vector<16xi32> to vector<16xi32>
    tpu.vector_store %arg12[%swap3A_133], %swap3A_136 {strides = array<i32>} : memref<128xi32, #tpu.memory_space<vmem>>, vector<16xi32>,
    %get3A_137 = arith.constant 48 : index
    %get3A_138 = tpu.vector_load %arg10[%get3A_137] {strides = array<i32>} : memref<128xi32, #tpu.memory_space<vmem>>, vector<16xi32>,
    %get3A_139 = vector.shape_cast %get3A_138 : vector<16xi32> to vector<16xi32>
    %swap3A_140 = arith.constant 48 : index
    %swap3A_141 = tpu.vector_load %arg12[%swap3A_140] {strides = array<i32>} : memref<128xi32, #tpu.memory_space<vmem>>, vector<16xi32>,
    %swap3A_142 = vector.shape_cast %swap3A_141 : vector<16xi32> to vector<16xi32>
    %swap3A_143 = vector.shape_cast %get3A_139 : vector<16xi32> to vector<16xi32>
    tpu.vector_store %arg12[%swap3A_140], %swap3A_143 {strides = array<i32>} : memref<128xi32, #tpu.memory_space<vmem>>, vector<16xi32>,
    %get3A_144 = arith.constant 64 : index
    %get3A_145 = tpu.vector_load %arg10[%get3A_144] {strides = array<i32>} : memref<128xi32, #tpu.memory_space<vmem>>, vector<16xi32>,
    %get3A_146 = vector.shape_cast %get3A_145 : vector<16xi32> to vector<16xi32>
    %swap3A_147 = arith.constant 64 : index
    %swap3A_148 = tpu.vector_load %arg12[%swap3A_147] {strides = array<i32>} : memref<128xi32, #tpu.memory_space<vmem>>, vector<16xi32>,
    %swap3A_149 = vector.shape_cast %swap3A_148 : vector<16xi32> to vector<16xi32>
    %swap3A_150 = vector.shape_cast %get3A_146 : vector<16xi32> to vector<16xi32>
    tpu.vector_store %arg12[%swap3A_147], %swap3A_150 {strides = array<i32>} : memref<128xi32, #tpu.memory_space<vmem>>, vector<16xi32>,
    %get3A_151 = arith.constant 80 : index
    %get3A_152 = tpu.vector_load %arg10[%get3A_151] {strides = array<i32>} : memref<128xi32, #tpu.memory_space<vmem>>, vector<16xi32>,
    %get3A_153 = vector.shape_cast %get3A_152 : vector<16xi32> to vector<16xi32>
    %swap3A_154 = arith.constant 80 : index
    %swap3A_155 = tpu.vector_load %arg12[%swap3A_154] {strides = array<i32>} : memref<128xi32, #tpu.memory_space<vmem>>, vector<16xi32>,
    %swap3A_156 = vector.shape_cast %swap3A_155 : vector<16xi32> to vector<16xi32>
    %swap3A_157 = vector.shape_cast %get3A_153 : vector<16xi32> to vector<16xi32>
    tpu.vector_store %arg12[%swap3A_154], %swap3A_157 {strides = array<i32>} : memref<128xi32, #tpu.memory_space<vmem>>, vector<16xi32>,
    %get3A_158 = arith.constant 96 : index
    %get3A_159 = tpu.vector_load %arg10[%get3A_158] {strides = array<i32>} : memref<128xi32, #tpu.memory_space<vmem>>, vector<16xi32>,
    %get3A_160 = vector.shape_cast %get3A_159 : vector<16xi32> to vector<16xi32>
    %swap3A_161 = arith.constant 96 : index
    %swap3A_162 = tpu.vector_load %arg12[%swap3A_161] {strides = array<i32>} : memref<128xi32, #tpu.memory_space<vmem>>, vector<16xi32>,
    %swap3A_163 = vector.shape_cast %swap3A_162 : vector<16xi32> to vector<16xi32>
    %swap3A_164 = vector.shape_cast %get3A_160 : vector<16xi32> to vector<16xi32>
    tpu.vector_store %arg12[%swap3A_161], %swap3A_164 {strides = array<i32>} : memref<128xi32, #tpu.memory_space<vmem>>, vector<16xi32>,
    %get3A_165 = arith.constant 112 : index
    %get3A_166 = tpu.vector_load %arg10[%get3A_165] {strides = array<i32>} : memref<128xi32, #tpu.memory_space<vmem>>, vector<16xi32>,
    %get3A_167 = vector.shape_cast %get3A_166 : vector<16xi32> to vector<16xi32>
    %swap3A_168 = arith.constant 112 : index
    %swap3A_169 = tpu.vector_load %arg12[%swap3A_168] {strides = array<i32>} : memref<128xi32, #tpu.memory_space<vmem>>, vector<16xi32>,
    %swap3A_170 = vector.shape_cast %swap3A_169 : vector<16xi32> to vector<16xi32>
    %swap3A_171 = vector.shape_cast %get3A_167 : vector<16xi32> to vector<16xi32>
    tpu.vector_store %arg12[%swap3A_168], %swap3A_171 {strides = array<i32>} : memref<128xi32, #tpu.memory_space<vmem>>, vector<16xi32>,
    %dma_start3A_172 = arith.constant 0 : i32
    %dma_start3A_173 = arith.constant 0 : i32
    %dma_start3A_174 = tpu.memref_slice %arg18[%dma_start3A_172, %dma_start3A_173] : memref<10000x128xf32, #tpu.memory_space<vmem_shared>> -> memref<10000x128xf32, #tpu.memory_space<vmem_shared>>
    tpu.enqueue_indirect_dma source(%arg14 : memref<128x128xf32, #tpu.memory_space<vmem>>) target(%dma_start3A_174 : memref<10000x128xf32, #tpu.memory_space<vmem_shared>>) offsets(%arg12 : memref<128xi32, #tpu.memory_space<vmem>>) semaphore(%arg24 : memref<!tpu.dma_semaphore, #tpu.memory_space<semaphore_mem>>) {add = true}
    %dma_wait3A_175 = arith.constant 0 : i32
    %dma_wait3A_176 = arith.constant 0 : i32
    %dma_wait3A_177 = tpu.memref_slice %arg18[%dma_wait3A_175, %dma_wait3A_176] : memref<10000x128xf32, #tpu.memory_space<vmem_shared>> -> memref<10000x128xf32, #tpu.memory_space<vmem_shared>>
    tpu.wait_indirect_dma semaphore(%arg23 : memref<!tpu.dma_semaphore, #tpu.memory_space<semaphore_mem>>) src(%arg13 : memref<128x128xf32, #tpu.memory_space<vmem>>) dst(%dma_wait3A_177 : memref<10000x128xf32, #tpu.memory_space<vmem_shared>>)
    %dma_wait3A_178 = arith.constant 0 : i32
    %dma_wait3A_179 = arith.constant 0 : i32
    %dma_wait3A_180 = tpu.memref_slice %arg18[%dma_wait3A_178, %dma_wait3A_179] : memref<10000x128xf32, #tpu.memory_space<vmem_shared>> -> memref<10000x128xf32, #tpu.memory_space<vmem_shared>>
    tpu.wait_indirect_dma semaphore(%arg24 : memref<!tpu.dma_semaphore, #tpu.memory_space<semaphore_mem>>) src(%arg14 : memref<128x128xf32, #tpu.memory_space<vmem>>) dst(%dma_wait3A_180 : memref<10000x128xf32, #tpu.memory_space<vmem_shared>>)
    %dma_wait3A_181 = arith.constant 0 : i32
    %dma_wait3A_182 = tpu.memref_slice %arg3[%dma_wait3A_181] : memref<320000xi32, #tpu.memory_space<hbm>> -> memref<128xi32, #tpu.memory_space<hbm>>
    %dma_wait3A_183 = arith.constant 0 : i32
    %dma_wait3A_184 = tpu.memref_slice %arg3[%dma_wait3A_183] : memref<320000xi32, #tpu.memory_space<hbm>> -> memref<128xi32, #tpu.memory_space<hbm>>
    tpu.wait_dma2 semaphore(%arg19 : memref<!tpu.dma_semaphore, #tpu.memory_space<semaphore_mem>>) src(%dma_wait3A_184 : memref<128xi32, #tpu.memory_space<hbm>>) dst(%arg7 : memref<128xi32, #tpu.memory_space<vmem>>)
    %dma_wait3A_185 = arith.constant 0 : i32
    %dma_wait3A_186 = tpu.memref_slice %arg4[%dma_wait3A_185] : memref<320000xi32, #tpu.memory_space<hbm>> -> memref<128xi32, #tpu.memory_space<hbm>>
    %dma_wait3A_187 = arith.constant 0 : i32
    %dma_wait3A_188 = tpu.memref_slice %arg4[%dma_wait3A_187] : memref<320000xi32, #tpu.memory_space<hbm>> -> memref<128xi32, #tpu.memory_space<hbm>>
    tpu.wait_dma2 semaphore(%arg19 : memref<!tpu.dma_semaphore, #tpu.memory_space<semaphore_mem>>) src(%dma_wait3A_188 : memref<128xi32, #tpu.memory_space<hbm>>) dst(%arg9 : memref<128xi32, #tpu.memory_space<vmem>>)
    %add3A_189 = arith.constant 9984 : i32
    %add3A_190 = arith.addi %mul3A_6, %add3A_189 : i32
    "tpu.region"() ({
      %run_scoped3A = tpu.sem_alloc : memref<!tpu.dma_semaphore, #tpu.memory_space<semaphore_mem>>
      %dma_start3A_203 = tpu.memref_slice %arg3[%add3A_190] : memref<320000xi32, #tpu.memory_space<hbm>> -> memref<16xi32, #tpu.memory_space<hbm>>
      %dma_start3A_204 = tpu.memref_slice %arg3[%add3A_190] : memref<320000xi32, #tpu.memory_space<hbm>> -> memref<16xi32, #tpu.memory_space<hbm>>
      tpu.enqueue_dma source(%dma_start3A_204 : memref<16xi32, #tpu.memory_space<hbm>>) target(%arg15 : memref<16xi32, #tpu.memory_space<vmem>>) target_semaphore(%run_scoped3A : memref<!tpu.dma_semaphore, #tpu.memory_space<semaphore_mem>>)
      %dma_wait3A_205 = tpu.memref_slice %arg3[%add3A_190] : memref<320000xi32, #tpu.memory_space<hbm>> -> memref<16xi32, #tpu.memory_space<hbm>>
      %dma_wait3A_206 = tpu.memref_slice %arg3[%add3A_190] : memref<320000xi32, #tpu.memory_space<hbm>> -> memref<16xi32, #tpu.memory_space<hbm>>
      tpu.wait_dma2 semaphore(%run_scoped3A : memref<!tpu.dma_semaphore, #tpu.memory_space<semaphore_mem>>) src(%dma_wait3A_206 : memref<16xi32, #tpu.memory_space<hbm>>) dst(%arg15 : memref<16xi32, #tpu.memory_space<vmem>>)
      tpu.yield
    }) : () -> ()
    "tpu.region"() ({
      %run_scoped3A = tpu.sem_alloc : memref<!tpu.dma_semaphore, #tpu.memory_space<semaphore_mem>>
      %dma_start3A_203 = tpu.memref_slice %arg4[%add3A_190] : memref<320000xi32, #tpu.memory_space<hbm>> -> memref<16xi32, #tpu.memory_space<hbm>>
      %dma_start3A_204 = tpu.memref_slice %arg4[%add3A_190] : memref<320000xi32, #tpu.memory_space<hbm>> -> memref<16xi32, #tpu.memory_space<hbm>>
      tpu.enqueue_dma source(%dma_start3A_204 : memref<16xi32, #tpu.memory_space<hbm>>) target(%arg16 : memref<16xi32, #tpu.memory_space<vmem>>) target_semaphore(%run_scoped3A : memref<!tpu.dma_semaphore, #tpu.memory_space<semaphore_mem>>)
      %dma_wait3A_205 = tpu.memref_slice %arg4[%add3A_190] : memref<320000xi32, #tpu.memory_space<hbm>> -> memref<16xi32, #tpu.memory_space<hbm>>
      %dma_wait3A_206 = tpu.memref_slice %arg4[%add3A_190] : memref<320000xi32, #tpu.memory_space<hbm>> -> memref<16xi32, #tpu.memory_space<hbm>>
      tpu.wait_dma2 semaphore(%run_scoped3A : memref<!tpu.dma_semaphore, #tpu.memory_space<semaphore_mem>>) src(%dma_wait3A_206 : memref<16xi32, #tpu.memory_space<hbm>>) dst(%arg16 : memref<16xi32, #tpu.memory_space<vmem>>)
      tpu.yield
    }) : () -> ()
    %dma_start3A_191 = arith.constant 0 : i32
    %dma_start3A_192 = arith.constant 0 : i32
    %dma_start3A_193 = tpu.memref_slice %arg2[%dma_start3A_191, %dma_start3A_192] : memref<10000x128xf32, #tpu.memory_space<hbm>> -> memref<10000x128xf32, #tpu.memory_space<hbm>>
    tpu.enqueue_indirect_dma source(%dma_start3A_193 : memref<10000x128xf32, #tpu.memory_space<hbm>>) target(%arg17 : memref<16x128xf32, #tpu.memory_space<vmem>>) offsets(%arg15 : memref<16xi32, #tpu.memory_space<vmem>>) semaphore(%arg21 : memref<!tpu.dma_semaphore, #tpu.memory_space<semaphore_mem>>)
    %dma_wait3A_194 = arith.constant 0 : i32
    %dma_wait3A_195 = arith.constant 0 : i32
    %dma_wait3A_196 = tpu.memref_slice %arg2[%dma_wait3A_194, %dma_wait3A_195] : memref<10000x128xf32, #tpu.memory_space<hbm>> -> memref<10000x128xf32, #tpu.memory_space<hbm>>
    tpu.wait_indirect_dma semaphore(%arg21 : memref<!tpu.dma_semaphore, #tpu.memory_space<semaphore_mem>>) src(%dma_wait3A_196 : memref<10000x128xf32, #tpu.memory_space<hbm>>) dst(%arg17 : memref<16x128xf32, #tpu.memory_space<vmem>>)
    "tpu.region"() ({
      %run_scoped3A = tpu.sem_alloc : memref<!tpu.dma_semaphore, #tpu.memory_space<semaphore_mem>>
      %dma_start3A_203 = arith.constant 0 : i32
      %dma_start3A_204 = arith.constant 0 : i32
      %dma_start3A_205 = tpu.memref_slice %arg18[%dma_start3A_203, %dma_start3A_204] : memref<10000x128xf32, #tpu.memory_space<vmem_shared>> -> memref<10000x128xf32, #tpu.memory_space<vmem_shared>>
      tpu.enqueue_indirect_dma source(%arg17 : memref<16x128xf32, #tpu.memory_space<vmem>>) target(%dma_start3A_205 : memref<10000x128xf32, #tpu.memory_space<vmem_shared>>) offsets(%arg16 : memref<16xi32, #tpu.memory_space<vmem>>) semaphore(%run_scoped3A : memref<!tpu.dma_semaphore, #tpu.memory_space<semaphore_mem>>) {add = true}
      %dma_wait3A_206 = arith.constant 0 : i32
      %dma_wait3A_207 = arith.constant 0 : i32
      %dma_wait3A_208 = tpu.memref_slice %arg18[%dma_wait3A_206, %dma_wait3A_207] : memref<10000x128xf32, #tpu.memory_space<vmem_shared>> -> memref<10000x128xf32, #tpu.memory_space<vmem_shared>>
      tpu.wait_indirect_dma semaphore(%run_scoped3A : memref<!tpu.dma_semaphore, #tpu.memory_space<semaphore_mem>>) src(%arg17 : memref<16x128xf32, #tpu.memory_space<vmem>>) dst(%dma_wait3A_208 : memref<10000x128xf32, #tpu.memory_space<vmem_shared>>)
      tpu.yield
    }) : () -> ()
    %barrier3A_197 = arith.constant 0 : index
    tpu.barrier barrier_id(%barrier3A_197)
    "tpu.region"() ({
      %run_scoped3A = tpu.sem_alloc : memref<!tpu.dma_semaphore, #tpu.memory_space<semaphore_mem>>
      %dma_start3A_203 = arith.constant 0 : i32
      %dma_start3A_204 = tpu.memref_slice %arg6[%arg0, %mul3A_0, %dma_start3A_203] : memref<2x10000x128xf32, #tpu.memory_space<hbm>> -> memref<1x624x128xf32, #tpu.memory_space<hbm>>
      %dma_start3A_205 = tpu.memref_squeeze %dma_start3A_204 : memref<1x624x128xf32, #tpu.memory_space<hbm>> -> memref<624x128xf32, #tpu.memory_space<hbm>>
      %dma_start3A_206 = arith.constant 0 : i32
      %dma_start3A_207 = tpu.memref_slice %arg18[%mul3A_0, %dma_start3A_206] : memref<10000x128xf32, #tpu.memory_space<vmem_shared>> -> memref<624x128xf32, #tpu.memory_space<vmem_shared>>
      tpu.enqueue_dma source(%dma_start3A_207 : memref<624x128xf32, #tpu.memory_space<vmem_shared>>) target(%dma_start3A_205 : memref<624x128xf32, #tpu.memory_space<hbm>>) target_semaphore(%run_scoped3A : memref<!tpu.dma_semaphore, #tpu.memory_space<semaphore_mem>>)
      %dma_wait3A_208 = arith.constant 0 : i32
      %dma_wait3A_209 = tpu.memref_slice %arg6[%arg0, %mul3A_0, %dma_wait3A_208] : memref<2x10000x128xf32, #tpu.memory_space<hbm>> -> memref<1x624x128xf32, #tpu.memory_space<hbm>>
      %dma_wait3A_210 = tpu.memref_squeeze %dma_wait3A_209 : memref<1x624x128xf32, #tpu.memory_space<hbm>> -> memref<624x128xf32, #tpu.memory_space<hbm>>
      %dma_wait3A_211 = arith.constant 0 : i32
      %dma_wait3A_212 = tpu.memref_slice %arg18[%mul3A_0, %dma_wait3A_211] : memref<10000x128xf32, #tpu.memory_space<vmem_shared>> -> memref<624x128xf32, #tpu.memory_space<vmem_shared>>
      tpu.wait_dma2 semaphore(%run_scoped3A : memref<!tpu.dma_semaphore, #tpu.memory_space<semaphore_mem>>) src(%dma_wait3A_212 : memref<624x128xf32, #tpu.memory_space<vmem_shared>>) dst(%dma_wait3A_210 : memref<624x128xf32, #tpu.memory_space<hbm>>)
      tpu.yield
    }) : () -> ()
    %eq3A_198 = arith.constant 0 : i32
    %eq3A_199 = arith.cmpi eq, %arg1, %eq3A_198 : i32
    %convert_element_type3A_200 = arith.extui %eq3A_199 : i1 to i32
    %cond3A_201 = arith.constant 0 : i32
    %cond3A_202 = arith.cmpi ne, %convert_element_type3A_200, %cond3A_201 : i32
    scf.if %cond3A_202 {
      "tpu.region"() ({
        %run_scoped3A = tpu.sem_alloc : memref<!tpu.dma_semaphore, #tpu.memory_space<semaphore_mem>>
        %dma_start3A_203 = arith.constant 9984 : i32
        %dma_start3A_204 = arith.constant 0 : i32
        %dma_start3A_205 = tpu.memref_slice %arg6[%arg0, %dma_start3A_203, %dma_start3A_204] : memref<2x10000x128xf32, #tpu.memory_space<hbm>> -> memref<1x16x128xf32, #tpu.memory_space<hbm>>
        %dma_start3A_206 = tpu.memref_squeeze %dma_start3A_205 : memref<1x16x128xf32, #tpu.memory_space<hbm>> -> memref<16x128xf32, #tpu.memory_space<hbm>>
        %dma_start3A_207 = arith.constant 9984 : i32
        %dma_start3A_208 = arith.constant 0 : i32
        %dma_start3A_209 = tpu.memref_slice %arg18[%dma_start3A_207, %dma_start3A_208] : memref<10000x128xf32, #tpu.memory_space<vmem_shared>> -> memref<16x128xf32, #tpu.memory_space<vmem_shared>>
        tpu.enqueue_dma source(%dma_start3A_209 : memref<16x128xf32, #tpu.memory_space<vmem_shared>>) target(%dma_start3A_206 : memref<16x128xf32, #tpu.memory_space<hbm>>) target_semaphore(%run_scoped3A : memref<!tpu.dma_semaphore, #tpu.memory_space<semaphore_mem>>)
        %dma_wait3A_210 = arith.constant 9984 : i32
        %dma_wait3A_211 = arith.constant 0 : i32
        %dma_wait3A_212 = tpu.memref_slice %arg6[%arg0, %dma_wait3A_210, %dma_wait3A_211] : memref<2x10000x128xf32, #tpu.memory_space<hbm>> -> memref<1x16x128xf32, #tpu.memory_space<hbm>>
        %dma_wait3A_213 = tpu.memref_squeeze %dma_wait3A_212 : memref<1x16x128xf32, #tpu.memory_space<hbm>> -> memref<16x128xf32, #tpu.memory_space<hbm>>
        %dma_wait3A_214 = arith.constant 9984 : i32
        %dma_wait3A_215 = arith.constant 0 : i32
        %dma_wait3A_216 = tpu.memref_slice %arg18[%dma_wait3A_214, %dma_wait3A_215] : memref<10000x128xf32, #tpu.memory_space<vmem_shared>> -> memref<16x128xf32, #tpu.memory_space<vmem_shared>>
        tpu.wait_dma2 semaphore(%run_scoped3A : memref<!tpu.dma_semaphore, #tpu.memory_space<semaphore_mem>>) src(%dma_wait3A_216 : memref<16x128xf32, #tpu.memory_space<vmem_shared>>) dst(%dma_wait3A_213 : memref<16x128xf32, #tpu.memory_space<hbm>>)
        tpu.yield
      }) : () -> ()
    } else {
    }
    return
  }
}

module attributes {stable_mosaic.version = 14 : i64} {
  func.func @_mm_body(%arg0: i32, %arg1: memref<1000x128xf32, #tpu.memory_space<vmem>>, %arg2: memref<128x128xf32, #tpu.memory_space<vmem>>, %arg3: memref<1000x1xf32, #tpu.memory_space<vmem>>, %arg4: memref<1000x128xf32, #tpu.memory_space<vmem>>) attributes {dimension_semantics = [#tpu.dimension_semantics<arbitrary>], iteration_bounds = array<i64: 10>, scalar_prefetch = 0 : i64, scratch_operands = 0 : i64, tpu.core_type = #tpu.core_type<tc>, window_params = [{transform_indices = @transform_0, window_bounds = array<i64: 1000, 128>}, {pipeline_mode = #tpu.pipeline_mode<synchronous>, transform_indices = @transform_1, window_bounds = array<i64: 128, 128>}, {transform_indices = @transform_2, window_bounds = array<i64: 1000, 1>}, {transform_indices = @transform_3, window_bounds = array<i64: 1000, 128>}]} {
    %get3A = arith.constant 0 : index
    %get3A_0 = arith.constant 0 : index
    %get3A_1 = vector.load %arg1[%get3A, %get3A_0] : memref<1000x128xf32, #tpu.memory_space<vmem>>, vector<1000x128xf32>
    %get3A_2 = arith.constant 0 : index
    %get3A_3 = arith.constant 0 : index
    %get3A_4 = vector.load %arg2[%get3A_2, %get3A_3] : memref<128x128xf32, #tpu.memory_space<vmem>>, vector<128x128xf32>
    %dot_general3A = arith.constant dense<0.000000e+00> : vector<1000x128xf32>
    %dot_general3A_5 = tpu.matmul %get3A_1, %get3A_4, %dot_general3A {dimension_numbers = #tpu.dot_dimension_numbers<[1], [0], [0], [1], [0, 0, 1, 1], [], []>, transpose_lhs_hint = false} : vector<1000x128xf32>, vector<128x128xf32>, vector<1000x128xf32> -> vector<1000x128xf32>
    %get3A_6 = arith.constant 0 : index
    %get3A_7 = arith.constant 0 : index
    %get3A_8 = vector.load %arg3[%get3A_6, %get3A_7] : memref<1000x1xf32, #tpu.memory_space<vmem>>, vector<1000x1xf32>
    %mul3A = vector.broadcast %get3A_8 : vector<1000x1xf32> to vector<1000x128xf32>
    %mul3A_9 = arith.mulf %dot_general3A_5, %mul3A : vector<1000x128xf32>
    %swap3A = arith.constant 0 : index
    %swap3A_10 = arith.constant 0 : index
    %swap3A_11 = vector.load %arg4[%swap3A, %swap3A_10] : memref<1000x128xf32, #tpu.memory_space<vmem>>, vector<1000x128xf32>
    tpu.vector_store %arg4[%swap3A, %swap3A_10], %mul3A_9 {strides = array<i32>} : memref<1000x128xf32, #tpu.memory_space<vmem>>, vector<1000x128xf32>,
    return
  }
  func.func @transform_0(%arg0: i32) -> (i32, i32) {
    %c0_i32 = arith.constant 0 : i32
    %c0_i32_0 = arith.constant 0 : i32
    return %arg0, %c0_i32 : i32, i32
  }
  func.func @transform_1(%arg0: i32) -> (i32, i32) {
    %c0_i32 = arith.constant 0 : i32
    %c0_i32_0 = arith.constant 0 : i32
    %c0_i32_1 = arith.constant 0 : i32
    return %c0_i32, %c0_i32_0 : i32, i32
  }
  func.func @transform_2(%arg0: i32) -> (i32, i32) {
    %c0_i32 = arith.constant 0 : i32
    %c0_i32_0 = arith.constant 0 : i32
    return %arg0, %c0_i32 : i32, i32
  }
  func.func @transform_3(%arg0: i32) -> (i32, i32) {
    %c0_i32 = arith.constant 0 : i32
    %c0_i32_0 = arith.constant 0 : i32
    return %arg0, %c0_i32 : i32, i32
  }
}

module attributes {stable_mosaic.version = 14 : i64} {
  func.func @_fin_body(%arg0: i32, %arg1: memref<1000x128xf32, #tpu.memory_space<vmem>>, %arg2: memref<1000x128xf32, #tpu.memory_space<vmem>>, %arg3: memref<1000x1xf32, #tpu.memory_space<vmem>>, %arg4: memref<1x128xf32, #tpu.memory_space<vmem>>, %arg5: memref<1000x128xf32, #tpu.memory_space<vmem>>) attributes {dimension_semantics = [#tpu.dimension_semantics<arbitrary>], iteration_bounds = array<i64: 10>, scalar_prefetch = 0 : i64, scratch_operands = 0 : i64, tpu.core_type = #tpu.core_type<tc>, window_params = [{transform_indices = @transform_0, window_bounds = array<i64: 1000, 128>}, {transform_indices = @transform_1, window_bounds = array<i64: 1000, 128>}, {transform_indices = @transform_2, window_bounds = array<i64: 1000, 1>}, {pipeline_mode = #tpu.pipeline_mode<synchronous>, transform_indices = @transform_3, window_bounds = array<i64: 1, 128>}, {transform_indices = @transform_4, window_bounds = array<i64: 1000, 128>}]} {
    %get3A = arith.constant 0 : index
    %get3A_0 = arith.constant 0 : index
    %get3A_1 = vector.load %arg1[%get3A, %get3A_0] : memref<1000x128xf32, #tpu.memory_space<vmem>>, vector<1000x128xf32>
    %get3A_2 = arith.constant 0 : index
    %get3A_3 = arith.constant 0 : index
    %get3A_4 = vector.load %arg2[%get3A_2, %get3A_3] : memref<1000x128xf32, #tpu.memory_space<vmem>>, vector<1000x128xf32>
    %add3A = arith.addf %get3A_1, %get3A_4 : vector<1000x128xf32>
    %get3A_5 = arith.constant 0 : index
    %get3A_6 = arith.constant 0 : index
    %get3A_7 = vector.load %arg3[%get3A_5, %get3A_6] : memref<1000x1xf32, #tpu.memory_space<vmem>>, vector<1000x1xf32>
    %mul3A = vector.broadcast %get3A_7 : vector<1000x1xf32> to vector<1000x128xf32>
    %mul3A_8 = arith.mulf %add3A, %mul3A : vector<1000x128xf32>
    %get3A_9 = arith.constant 0 : index
    %get3A_10 = arith.constant 0 : index
    %get3A_11 = vector.load %arg4[%get3A_9, %get3A_10] : memref<1x128xf32, #tpu.memory_space<vmem>>, vector<1x128xf32>
    %add3A_12 = vector.broadcast %get3A_11 : vector<1x128xf32> to vector<1000x128xf32>
    %add3A_13 = arith.addf %mul3A_8, %add3A_12 : vector<1000x128xf32>
    %swap3A = arith.constant 0 : index
    %swap3A_14 = arith.constant 0 : index
    %swap3A_15 = vector.load %arg5[%swap3A, %swap3A_14] : memref<1000x128xf32, #tpu.memory_space<vmem>>, vector<1000x128xf32>
    tpu.vector_store %arg5[%swap3A, %swap3A_14], %add3A_13 {strides = array<i32>} : memref<1000x128xf32, #tpu.memory_space<vmem>>, vector<1000x128xf32>,
    return
  }
  func.func @transform_0(%arg0: i32) -> (i32, i32) {
    %c0_i32 = arith.constant 0 : i32
    %c0_i32_0 = arith.constant 0 : i32
    return %arg0, %c0_i32 : i32, i32
  }
  func.func @transform_1(%arg0: i32) -> (i32, i32) {
    %c0_i32 = arith.constant 0 : i32
    %c0_i32_0 = arith.constant 0 : i32
    return %arg0, %c0_i32 : i32, i32
  }
  func.func @transform_2(%arg0: i32) -> (i32, i32) {
    %c0_i32 = arith.constant 0 : i32
    %c0_i32_0 = arith.constant 0 : i32
    return %arg0, %c0_i32 : i32, i32
  }
  func.func @transform_3(%arg0: i32) -> (i32, i32) {
    %c0_i32 = arith.constant 0 : i32
    %c0_i32_0 = arith.constant 0 : i32
    %c0_i32_1 = arith.constant 0 : i32
    return %c0_i32, %c0_i32_0 : i32, i32
  }
  func.func @transform_4(%arg0: i32) -> (i32, i32) {
    %c0_i32 = arith.constant 0 : i32
    %c0_i32_0 = arith.constant 0 : i32
    return %arg0, %c0_i32 : i32, i32
  }
}

</mosaic_0001>

<sc_bundles>
// kernel: kernel.5.cloned.1.call-start
scs
__scs_entry_jumppad:
0x0: {  	(pc) =	sbr.rel $0x88, $3  }
0x1: {  	(tag) =	ssettag $0x0;
	lr =	simm.s32 $0x1  }
0x2: {  	[smem:$0x3F9C] =	sst lr;
	_ =	strace $0xD0000000  }
0x3: {  	_ = 	snop  }
0x4: {  	_ = 	snop  }
0x5: {  	_ = 	snop  }
0x6: {  	_ = 	snop  }
0x7: {  	_ = 	snop  }
__scs_overlays_trampoline_lowered:
0x8: {  	[smem:$0x3FAB] =	sst s0  }
0x9: {  	[smem:$0x3FAC] =	sst s1  }
0xa: {  	[smem:$0x3FAD] =	sst s2  }
0xb: {  	[smem:$0x3FAE] =	sst s3  }
0xc: {  	[smem:$0x3FAF] =	sst s4  }
0xd: {  	[smem:$0x3FB0] =	sst s5  }
0xe: {  	[smem:$0x3FB1] =	sst s6  }
0xf: {  	[smem:$0x3FB2] =	sst s7  }
0x10: {  	[smem:$0x3FB3] =	sst s8  }
0x11: {  	[smem:$0x3FB4] =	sst s9;
	s0 =	simm.s32 @!p0 $0x0  }
0x12: {  	s1 =	sld [smem:$0x3F9A];
	s0 =	simm.s32 @p0 $0x1  }
0x13: {  	[smem:$0x3FB5] =	sst s0;
	s0 =	simm.s32 @!p1 $0x0  }
0x14: {  	s2 =	sld [smem:$0x3F99];
	s0 =	simm.s32 @p1 $0x1  }
0x15: {  	[smem:$0x3FB6] =	sst s0;
	s0 =	simm.s32 @!p2 $0x0  }
0x16: {  	s3 =	sld [smem:$0x3FDB];
	s0 =	simm.s32 @p2 $0x1  }
0x17: {  	s4 =	simm.s32 $0x1BF5;
	[smem:$0x3FB8] =	sst s0  }
0x18: {  	s0 =	sld [smem:$0x3F9B];
	_ =	swait.ge [sflag:s4], $0x0  }
0x19: {  	s7 =	sld [smem:$0x3F9C]  }
0x1a: {  	s8 =	sadd.s32 $0xFFFFE003, lr  }
0x1b: {  	s9 =	sadd.s32 $0xFFFFFEF7, lr;
	s5 =	simm.s32 $0xFFFFFFFF;
	p2 =	slt.u32 s8, $0xFFFFF086  }
0x1c: {  	p1 =	slt.u32 s9, $0xF7A;
	s5 =	simm.s32 @!p2 $0x0  }
0x1d: {  	s5 =	simm.s32 @p1 $0x1;
	p0 =	seq.s32 s7, s2  }
0x1e: {  	s7 =	smul.u32 @!p0 $0xF7A, s2;
	p2 =	seq.s32 @!p0 s5, $0x0  }
0x1f: {  	s9 =	smul.u32 $0xF7A, s1;
	s8 =	simm.s32 @!p0 $0x1BF5;
	p2 =	por !p2, p0  }
0x20: {  	[sflag:s8] =	ssyncset.s32 @!p0 $0xFFFFF086;
	s6 =	sadd.s32 @!p0 s3, s7;
	s7 =	simm.s32 @!p0 $0x108  }
0x21: {  	s3 =	sadd.s32 s3, s9;
	s6 =	sadd.s32 @!p0 $0x88, s6;
	s7 =	simm.s32 @p2 $0x1082  }
0x22: {  	[simem:s7], [sflag:s8] =	dma.local @!p0 [hbm:s6], $0xF7A  }
0x23: {  	s9 =	sor.u32 $0xD0000000, s2;
	s6 =	simm.s32 $0x108;
	_ =	swait.ge @!p0 [sflag:s8], $0x0  }
0x24: {  	s3 =	sadd.s32 $0x88, s3;
	s6 =	simm.s32 @!p1 $0x1082;
	[sflag:s4] =	ssyncset.s32 $0xFFFFF086  }
0x25: {  	[simem:s6], [sflag:s4] =	dma.local [hbm:s3], $0xF7A  }
0x26: {  	[smem:$0x3F9C] =	sst s1;
	(tag) =	ssettag s2;
	_ =	strace s9  }
0x27: {  	s1 =	sld [smem:$0x3FAC]  }
0x28: {  	s2 =	sld [smem:$0x3FAD]  }
0x29: {  	s4 =	sld [smem:$0x3FAF]  }
0x2a: {  	p0 =	seq.s32 s5, $0x0;
	s5 =	sld [smem:$0x3FB0]  }
0x2b: {  	s6 =	sld [smem:$0x3FB1]  }
0x2c: {  	s7 =	sld [smem:$0x3FB2]  }
0x2d: {  	s3 =	simm.s32 $0x108;
	s8 =	sld [smem:$0x3FB3]  }
0x2e: {  	s3 =	simm.s32 @!p0 $0x1082;
	s9 =	sld [smem:$0x3FB4]  }
0x2f: {  	lr =	sadd.s32 s0, s3;
	s0 =	sld [smem:$0x3FAB]  }
0x30: {  	s3 =	sld [smem:$0x3FAE]  }
0x31: {  	[smem:$0x3FB7] =	sst s10  }
0x32: {  	s10 =	sld [smem:$0x3FB5];
	_ =	sdelay $0x3  }
0x33: {  	p0 =	seq.s32 s10, $0x1;
	s10 =	sld [smem:$0x3FB7];
	_ =	sdelay $0x3  }
0x34: {  	[smem:$0x3FB7] =	sst s10  }
0x35: {  	s10 =	sld [smem:$0x3FB6];
	_ =	sdelay $0x3  }
0x36: {  	p1 =	seq.s32 s10, $0x1;
	s10 =	sld [smem:$0x3FB7];
	_ =	sdelay $0x3  }
0x37: {  	[smem:$0x3FB7] =	sst s10  }
0x38: {  	s10 =	sld [smem:$0x3FB8]  }
0x39: {  	_ = 	snop;
	(pc) =	sbr.ind lr, $3  }
0x3a: {  	_ = 	snop  }
0x3b: {  	_ = 	snop  }
0x3c: {  	p2 =	seq.s32 s10, $0x1;
	s10 =	sld [smem:$0x3FB7]  }
0x3d: {  	_ =	shalt  }
0x3e: {  	_ =	shalt  }
0x3f: {  	_ =	shalt  }
0x40: {  	_ =	shalt  }
0x41: {  	_ =	shalt  }
0x42: {  	_ =	shalt  }
0x43: {  	_ =	shalt  }
0x44: {  	_ =	shalt  }
0x45: {  	_ =	shalt  }
0x46: {  	_ =	shalt  }
0x47: {  	_ =	shalt  }
0x48: {  	_ =	shalt  }
0x49: {  	_ =	shalt  }
0x4a: {  	_ =	shalt  }
0x4b: {  	_ =	shalt  }
0x4c: {  	_ =	shalt  }
0x4d: {  	_ =	shalt  }
0x4e: {  	_ =	shalt  }
0x4f: {  	_ =	shalt  }
0x50: {  	_ =	shalt  }
0x51: {  	_ =	shalt  }
0x52: {  	_ =	shalt  }
0x53: {  	_ =	shalt  }
0x54: {  	_ =	shalt  }
0x55: {  	_ =	shalt  }
0x56: {  	_ =	shalt  }
0x57: {  	_ =	shalt  }
0x58: {  	_ =	shalt  }
0x59: {  	_ =	shalt  }
0x5a: {  	_ =	shalt  }
0x5b: {  	_ =	shalt  }
0x5c: {  	_ =	shalt  }
0x5d: {  	_ =	shalt  }
0x5e: {  	_ =	shalt  }
0x5f: {  	_ =	shalt  }
0x60: {  	_ =	shalt  }
0x61: {  	_ =	shalt  }
0x62: {  	_ =	shalt  }
0x63: {  	_ =	shalt  }
0x64: {  	_ =	shalt  }
0x65: {  	_ =	shalt  }
0x66: {  	_ =	shalt  }
0x67: {  	_ =	shalt  }
0x68: {  	_ =	shalt  }
0x69: {  	_ =	shalt  }
0x6a: {  	_ =	shalt  }
0x6b: {  	_ =	shalt  }
0x6c: {  	_ =	shalt  }
0x6d: {  	_ =	shalt  }
0x6e: {  	_ =	shalt  }
0x6f: {  	_ =	shalt  }
0x70: {  	_ =	shalt  }
0x71: {  	_ =	shalt  }
0x72: {  	_ =	shalt  }
0x73: {  	_ =	shalt  }
0x74: {  	_ =	shalt  }
0x75: {  	_ =	shalt  }
0x76: {  	_ =	shalt  }
0x77: {  	_ =	shalt  }
0x78: {  	_ =	shalt  }
0x79: {  	_ =	shalt  }
0x7a: {  	_ =	shalt  }
0x7b: {  	_ =	shalt  }
0x7c: {  	_ =	shalt  }
0x7d: {  	_ =	shalt  }
0x7e: {  	_ =	shalt  }
0x7f: {  	_ =	shalt  }
0x80: {  	_ =	shalt  }
0x81: {  	_ =	shalt  }
0x82: {  	_ =	shalt  }
0x83: {  	_ =	shalt  }
0x84: {  	_ =	shalt  }
0x85: {  	_ =	shalt  }
0x86: {  	_ =	shalt  }
0x87: {  	_ =	shalt  }
.Lfunc_end0:
.L_simem_size_0:
called_computation_lowered:
.L_overlay_start_0:
0x88: {  	s2 =	sld [smem:$0x3FD9]  }
0x89: {  	s3 =	sld [smem:$0x3FFE];
	_ =	sdelay $0x1  }
0x8a: {  	s1 =	srdreg.scid  }
0x8b: {  	s0 =	sand.u32 $0x1, s1  }
0x8c: {  	s17 =	sshll.u32 s0, $0xA;
	s2 =	sadd.s32 s3, s2  }
0x8d: {  	s2 =	sadd.s32 s2, s17  }
0x8e: {  	[smem:$0x3FC3] =	sst s2  }
0x8f: {  	_ = 	snop  }
0x90: {  	s2 =	sld [smem:$0x3FD0];
	(tm) =	ssettm $0x1  }
0x91: {  	s18 =	sld [smem:$0x3FFB];
	_ =	sdelay $0x3  }
0x92: {  	_ =	strace s18  }
0x93: {  	s3 =	sld [smem:$0x3FFC];
	_ =	sdelay $0x3  }
0x94: {  	_ =	strace s3  }
0x95: {  	s3 =	sld [smem:$0x3FFD];
	_ =	sdelay $0x3  }
0x96: {  	_ =	strace s3  }
0x97: {  	_ =	strace $0x8FFFFFFF  }
0x98: {  	s19 =	sld [smem:$0x3FDB];
	_ =	sdelay $0x1  }
0x99: {  	s4 =	simm.s32 $_scs_section_size  }
0x9a: {  	s5 =	simm.s32 $_size__tile_overlayer_lowered;
	s6 =	simm.s32 $_tile_overlayer_lowered  }
0x9b: {  	s22 =	simm.s32 $0x1BFF;
	s21 =	sshll.u32 s6, $0x1;
	s3 =	sadd.s32 s4, s19  }
0x9c: {  	s7 =	simm.s32 $0x0;
	s20 =	sshll.u32 s5, $0x1;
	s5 =	sadd.s32 s21, s3  }
0x9d: {  	[timem:s7], [sflag:s22] =	dma.local [hbm:s5], s20  }
0x9e: {  	_ =	swait.ge [sflag:s22], s20  }
0x9f: {  	s4 =	ssub.s32 $0x0, s20;
	[sflag:s22] =	ssyncset.done $0x0  }
0xa0: {  	[sflag:s22] =	ssyncadd.s32 s4;
	_ =	sdelay $0x1  }
0xa1: {  	s23 =	simm.s32 $0x1B8B  }
0xa2: {  	_ =	swait.ge [sflag:s23], $0x1  }
0xa3: {  	[sflag:s23] =	ssyncset.done $0x0  }
0xa4: {  	s25 =	simm.s32 $0x1B8E;
	s24 =	sld [smem:$0x3FFE];
	[sflag:s23] =	ssyncadd.s32 $0xFFFFFFFF  }
0xa5: {  	s26 =	simm.s32 $execute0_lowered;
	[smem:$0x3FD2] =	sst s25  }
0xa6: {  	s5 =	sshll.u32 s26, $0x1;
	_ =	strace $0x80000046;
	[dreg:$0x1] =	wrdreg $0xFFFFFFFF  }
0xa7: {  	s28 =	simm.s32 $_size_execute0_lowered;
	s3 =	sadd.s32 s3, s5;
	[dreg:$0x0] =	wrdreg $0x0  }
0xa8: {  	s5 =	sshll.u32 s28, $0x1;
	[dreg:$0x2] =	wrdreg s3  }
0xa9: {  	[dreg:$0x3] =	wrdreg s5  }
0xaa: {  	[dreg:$0x4] =	wrdreg $0xC0  }
0xab: {  	_ =	task [dreg:s7], $0x5FFFF  }
0xac: {  	[dreg:$0x1] =	wrdreg $0xFFFFFFFF  }
0xad: {  	[dreg:$0x0] =	wrdreg $0x60  }
0xae: {  	[dreg:$0x2] =	wrdreg s2  }
0xaf: {  	[dreg:$0x3] =	wrdreg s24  }
0xb0: {  	[dreg:$0x4] =	wrdreg $0x8C000  }
0xb1: {  	[dreg:$0x5] =	wrdreg $0x9  }
0xb2: {  	_ =	task.clear_ibuf [dreg:s7], $0x6FFFF;
	_ =	strace $0x90000046  }
0xb3: {  	s29 =	simm.s32 $0x9;
	_ =	strace $0x80000048  }
0xb4: {  	_ =	swait.ge [sflag:s29], $0x1  }
0xb5: {  	[sflag:s29] =	ssyncadd.s32 $0xFFFFFFFF  }
0xb6: {  	_ =	strace $0x90000048  }
0xb7: {  	_ =	sfence  }
0xb8: {  	s30 =	sld [smem:$0x0];
	_ =	sdelay $0x2  }
0xb9: {  	s31 =	sshll.u32 s1, $0xD;
	s1 =	sshrl.u32 s1, $0x2  }
0xba: {  	s3 =	sand.u32 $0x4000, s31;
	s1 =	sadd.s32 s1, s30  }
0xbb: {  	s0 =	sor.u32 s3, s0;
	s1 =	sshll.u32 s1, $0x11  }
0xbc: {  	s0 =	sor.u32 s1, s0  }
0xbd: {  	s0 =	sadd.s32 $0x8F2B, s0  }
0xbe: {  	[sflag:s0] =	ssyncadd.remote.s32 $0x1  }
0xbf: {  	_ =	sfence.sel $0xFFFF  }
0xc0: {  	[dreg:$0x0] =	wrdreg $0xFFFFFFFF;
	(pc) =	sbr.abs _section_cstart, $3  }
0xc1: {  	[dreg:$0x1] =	wrdreg $0xFFFFFFFF  }
0xc2: {  	_ =	task.clear_ibuf [dreg:s7], $0x2FFFF;
	_ =	strace $0x9FFFFFFF  }
0xc3: {  	(tm) =	ssettm $0x7FFFFFFF  }
tec
execute0_lowered:
.L_overlay_start_1:
0x0: {  	(tag) =	ssettag $0x1  }
0x1: {  	s1 =	rddreg [dreg:$0x0]  }
0x2: {  	s0 =	rddreg [dreg:$0x1]  }
0x3: {  	s2 =	rddreg [dreg:$0x2];
	s3 =	simm.s32 $0x0;
	s6 =	stileid.u32  }
0x4: {  	s9 =	srdreg.scid;
	s28 =	simm.s32 $0x1;
	s29 =	simm.s32 $0x80  }
0x5: {  	s30 =	simm.s32 $0x300;
	s31 =	simm.s32 $0x180;
	[smem:$0x7FF] =	sst s3  }
0x6: {  	s7 =	smul.u32 $0x13800, s6;
	s4 =	sadd.s32 $0xA600, s0;
	s5 =	sadd.s32 $0x800, s0  }
0x7: {  	s9 =	sand.u32 $0x1, s9;
	s11 =	smul.u32 $0x4E000, s6;
	s13 =	sadd.s32 $0x3B600, s0  }
0x8: {  	s20 =	sshll.u32 s6, $0x6;
	s21 =	sadd.s32 $0x138000, s2;
	s17 =	smul.u32 $0x2710, s6  }
0x9: {  	p0 =	sne.s32 s6, $0x0;
	_ =	strace $0x80000047;
	s10 =	ssub.s32 $0x2, s9  }
0xa: {  	s12 =	sshll.u32 s9, $0x4;
	[dreg:$0x6] =	wrdreg s21;
	s26 =	smul.u32 $0x138800, s9  }
0xb: {  	s9 =	smul.u32 $0x27100, s9;
	s8 =	sshrl.u32 s7, $0x3;
	s14 =	sshrl.u32 s10, $0x1  }
0xc: {  	s12 =	sor.u32 s6, s12;
	s11 =	sshrl.u32 s11, $0x2;
	s6 =	simm.s32 $0x4300  }
0xd: {  	s8 =	sadd.s32 s8, s0;
	s10 =	ssub.s32 s10, s14;
	s11 =	sadd.s32 s11, s2  }
0xe: {  	s12 =	smul.u32 $0x2710, s12;
	s0 =	sadd.s32 $0x3B400, s0;
	[dreg:$0x4] =	wrdreg s11  }
0xf: {  	s21 =	sshrl.u32 s26, $0x3;
	s8 =	sadd.s32 $0x14400, s8;
	[dreg:$0x7] =	wrdreg s0  }
0x10: {  	s9 =	sadd.s32 s17, s9;
	[dreg:$0x5] =	wrdreg s8;
	s8 =	sor.u32 $0x1C07, s20  }
0x11: {  	s22 =	sshrl.u32 s12, $0x3;
	s20 =	sadd.s32 s7, s26;
	s7 =	sadd.s32 s13, s21  }
0x12: {  	s26 =	sadd.s32 $0x200, s9;
	s23 =	sadd.s32 s4, s22;
	s24 =	sadd.s32 $0x10, s22  }
0x13: {  	s12 =	sadd.s32 s5, s22;
	s15 =	sadd.s32 $0x20, s22;
	[dreg:$0x13] =	wrdreg s26  }
0x14: {  	s11 =	sadd.s32 $0x4E0, s22;
	s22 =	sadd.s32 $0x180, s9;
	[dreg:$0x8] =	wrdreg s23  }
0x15: {  	s26 =	simm.s32 $0x100;
	[dreg:$0x9] =	wrdreg s12;
	s25 =	sadd.s32 s4, s24  }
0x16: {  	s9 =	simm.s32 $0x200;
	s0 =	sadd.s32 s5, s24;
	[dreg:$0xa] =	wrdreg s25  }
0x17: {  	s16 =	sadd.s32 s4, s15;
	s18 =	sadd.s32 s4, s11;
	[dreg:$0xb] =	wrdreg s0  }
0x18: {  	s19 =	sadd.s32 s5, s11;
	s23 =	sadd.s32 $0x27000, s7;
	[dreg:$0xc] =	wrdreg s16  }
0x19: {  	s24 =	sshrl.u32 s22, $0x3;
	s7 =	simm.s32 $0x3;
	[dreg:$0xe] =	wrdreg s18  }
0x1a: {  	s11 =	simm.s32 $0x4;
	s12 =	simm.s32 $0x280;
	[dreg:$0xf] =	wrdreg s19  }
0x1b: {  	s0 =	sadd.s32 s5, s15;
	[dreg:$0x11] =	wrdreg s23;
	s25 =	smax.u32 s10, $0x1  }
0x1c: {  	s23 =	sadd.s32 s24, s5;
	s24 =	sadd.s32 s24, s4;
	s10 =	simm.s32 $0x5  }
0x1d: {  	s18 =	simm.s32 $0x0;
	[dreg:$0xd] =	wrdreg s0;
	s0 =	sshrl.u32 s20, $0x3  }
0x1e: {  	[dreg:$0x12] =	wrdreg s25;
	s25 =	simm.s32 $0x7;
	s0 =	sadd.s32 s13, s0  }
0x1f: {  	s13 =	simm.s32 $0x6;
	[dreg:$0x10] =	wrdreg s0;
	s0 =	simm.s32 $0x2  }
.LBB2_1:
0x20: {  	s14 =	rddreg [dreg:$0x4]  }
0x21: {  	s20 =	rddreg [dreg:$0x5];
	s15 =	sshrl.u32 s14, $0x3  }
0x22: {  	[dreg:$0x14] =	wrdreg s15  }
0x23: {  	[spmem:s15], [sflag:s8] =	dma.local [hbm:s20], $0x2700  }
0x24: {  	_ =	swait.ge [sflag:s25], $0x2700  }
0x25: {  	[sflag:s25] =	ssyncset.done $0x0;
	s14 =	rddreg [dreg:$0x6]  }
0x26: {  	[sflag:s25] =	ssyncadd.s32 $0xFFFFD900;
	s20 =	sshrl.u32 @!p0 s14, $0x3;
	s14 =	rddreg [dreg:$0x7]  }
0x27: {  	[spmem:s20], [sflag:s8] =	dma.local @!p0 [hbm:s14], $0x100  }
0x28: {  	s14 =	simm.s32 @!p0 $0x7  }
0x29: {  	_ =	swait.ge @!p0 [sflag:s14], $0x100  }
0x2a: {  	[sflag:s14] =	ssyncset.done @!p0 $0x0  }
0x2b: {  	[sflag:s14] =	ssyncadd.s32 @!p0 $0xFFFFFF00  }
0x2c: {  	[bflag:$0x0] =	sbarrier.arrive $0xFFFF  }
0x2d: {  	s21 =	rddreg [dreg:$0x8]  }
0x2e: {  	[tilespmem:s3], [sflag:$0x1] =	stream.linear.gather [hbm4b:s21+s3], $0x80, $0x38;
	[tilespmem:$0x1C480] =	vst v63  }
0x2f: {  	s22 =	rddreg [dreg:$0x9]  }
0x30: {  	[tilespmem:s26], [sflag:$0x1] =	stream.linear.gather [hbm4b:s22+s3], $0x80, $0x38;
	[tilespmem:$0x1C480] =	vst v63  }
0x31: {  	_ =	swait.ge [sflag:s28], $0x80  }
0x32: {  	[sflag:s28] =	ssyncset.done $0x0  }
0x33: {  	[sflag:s28] =	ssyncadd.s32 $0xFFFFFF80  }
0x34: {  	_ =	swait.ge [sflag:s28], $0x80  }
0x35: {  	[sflag:s28] =	ssyncset.done $0x0  }
0x36: {  	[sflag:s28] =	ssyncadd.s32 $0xFFFFFF80  }
0x37: {  	[tilespmem:s30], [sflag:$0x3] =	stream.indirect.gather [hbm4b:s1+s29], $0x80, s3, s29, $0xb8;
	[tilespmem:$0x1C480] =	vst v63  }
0x38: {  	s15 =	rddreg [dreg:$0xa]  }
0x39: {  	[tilespmem:s29], [sflag:$0x2] =	stream.linear.gather [hbm4b:s15+s3], $0x80, $0x38;
	[tilespmem:$0x1C480] =	vst v63  }
0x3a: {  	s16 =	rddreg [dreg:$0xb]  }
0x3b: {  	[tilespmem:s31], [sflag:$0x2] =	stream.linear.gather [hbm4b:s16+s3], $0x80, $0x38;
	[tilespmem:$0x1C480] =	vst v63  }
0x3c: {  	_ =	swait.ge [sflag:s0], $0x80  }
0x3d: {  	[sflag:s0] =	ssyncset.done $0x0  }
0x3e: {  	[sflag:s0] =	ssyncadd.s32 $0xFFFFFF80  }
0x3f: {  	_ =	swait.ge [sflag:s0], $0x80  }
0x40: {  	[sflag:s0] =	ssyncset.done $0x0  }
0x41: {  	[sflag:s0] =	ssyncadd.s32 $0xFFFFFF80  }
0x42: {  	[tilespmem:s6], [sflag:$0x4] =	stream.indirect.gather [hbm4b:s1+s29], $0x80, s29, s29, $0xb8;
	[tilespmem:$0x1C480] =	vst v63  }
0x43: {  	_ =	swait.ge [sflag:s7], $0x4000  }
0x44: {  	[sflag:s7] =	ssyncset.done $0x0  }
0x45: {  	[sflag:s7] =	ssyncadd.s32 $0xFFFFC000  }
0x46: {  	v0 =	vld [tilespmem:$0x100]  }
0x47: {  	v1 =	vld [tilespmem:$0x110]  }
0x48: {  	v2 =	vld [tilespmem:$0x120]  }
0x49: {  	v3 =	vld [tilespmem:$0x130]  }
0x4a: {  	v4 =	vld [tilespmem:$0x140]  }
0x4b: {  	[tilespmem:$0x200] =	vst v0;
	v0 =	vld [tilespmem:$0x150]  }
0x4c: {  	[tilespmem:$0x210] =	vst v1;
	v1 =	vld [tilespmem:$0x160]  }
0x4d: {  	[tilespmem:$0x220] =	vst v2;
	v2 =	vld [tilespmem:$0x170]  }
0x4e: {  	[tilespmem:$0x230] =	vst v3  }
0x4f: {  	[tilespmem:$0x240] =	vst v4  }
0x50: {  	[tilespmem:$0x250] =	vst v0  }
0x51: {  	[tilespmem:$0x260] =	vst v1  }
0x52: {  	[tilespmem:$0x270] =	vst v2  }
0x53: {  	[spmem:s2] =	stream.indirect.scatter.add.f32 [tilespmem:s30], [sflag:$0x5], $0x80, s9, s29, $0xb8;
	[tilespmem:$0x1C480] =	vst v63  }
0x54: {  	s17 =	rddreg [dreg:$0xc]  }
0x55: {  	[tilespmem:s3], [sflag:$0x1] =	stream.linear.gather [hbm4b:s17+s3], $0x80, $0x38;
	[tilespmem:$0x1C480] =	vst v63  }
0x56: {  	s19 =	rddreg [dreg:$0xd]  }
0x57: {  	[tilespmem:s26], [sflag:$0x1] =	stream.linear.gather [hbm4b:s19+s3], $0x80, $0x38;
	[tilespmem:$0x1C480] =	vst v63  }
0x58: {  	_ =	swait.ge [sflag:s10], $0x4000  }
0x59: {  	[sflag:s10] =	ssyncset.done $0x0  }
0x5a: {  	[sflag:s10] =	ssyncadd.s32 $0xFFFFC000  }
0x5b: {  	_ =	swait.ge [sflag:s28], $0x80  }
0x5c: {  	[sflag:s28] =	ssyncset.done $0x0  }
0x5d: {  	[sflag:s28] =	ssyncadd.s32 $0xFFFFFF80  }
0x5e: {  	_ =	swait.ge [sflag:s28], $0x80  }
0x5f: {  	[sflag:s28] =	ssyncset.done $0x0  }
0x60: {  	[sflag:s28] =	ssyncadd.s32 $0xFFFFFF80  }
0x61: {  	[tilespmem:s30], [sflag:$0x3] =	stream.indirect.gather [hbm4b:s1+s29], $0x80, s3, s29, $0xb8;
	[tilespmem:$0x1C480] =	vst v63  }
0x62: {  	_ =	swait.ge [sflag:s11], $0x4000  }
0x63: {  	[sflag:s11] =	ssyncset.done $0x0  }
0x64: {  	[sflag:s11] =	ssyncadd.s32 $0xFFFFC000  }
0x65: {  	v0 =	vld [tilespmem:$0x1F0]  }
0x66: {  	v1 =	vld [tilespmem:$0x1D0]  }
0x67: {  	v2 =	vld [tilespmem:$0x1E0]  }
0x68: {  	v3 =	vld [tilespmem:$0x1B0]  }
0x69: {  	v63 =	vld [tilespmem:$0x1C0]  }
0x6a: {  	v5 =	vld [tilespmem:$0x180];
	[tilespmem:$0x2F0] =	vst v0  }
0x6b: {  	v0 =	vld [tilespmem:$0x1A0];
	[tilespmem:$0x2D0] =	vst v1  }
0x6c: {  	v1 =	vld [tilespmem:$0x190];
	[tilespmem:$0x2E0] =	vst v2  }
0x6d: {  	[tilespmem:$0x2B0] =	vst v3  }
0x6e: {  	[tilespmem:$0x2C0] =	vst v63  }
0x6f: {  	[tilespmem:$0x280] =	vst v5  }
0x70: {  	[tilespmem:$0x2A0] =	vst v0  }
0x71: {  	[tilespmem:$0x290] =	vst v1  }
0x72: {  	[spmem:s2] =	stream.indirect.scatter.add.f32 [tilespmem:s6], [sflag:$0x6], $0x80, s12, s29, $0xb8;
	[tilespmem:$0x1C480] =	vst v63  }
0x73: {  	s21 =	sadd.s32 $0x0, s24  }
0x74: {  	[tilespmem:s29], [sflag:$0x2] =	stream.linear.gather [hbm4b:s21+s3], $0x80, $0x38;
	[tilespmem:$0x1C480] =	vst v63  }
0x75: {  	s22 =	sadd.s32 $0x0, s23  }
0x76: {  	[tilespmem:s31], [sflag:$0x2] =	stream.linear.gather [hbm4b:s22+s3], $0x80, $0x38;
	[tilespmem:$0x1C480] =	vst v63  }
0x77: {  	_ =	swait.ge [sflag:s13], $0x4000  }
0x78: {  	[sflag:s13] =	ssyncset.done $0x0  }
0x79: {  	[sflag:s13] =	ssyncadd.s32 $0xFFFFC000  }
0x7a: {  	_ =	swait.ge [sflag:s0], $0x80  }
0x7b: {  	[sflag:s0] =	ssyncset.done $0x0  }
0x7c: {  	[sflag:s0] =	ssyncadd.s32 $0xFFFFFF80  }
0x7d: {  	_ =	swait.ge [sflag:s0], $0x80  }
0x7e: {  	[sflag:s0] =	ssyncset.done $0x0  }
0x7f: {  	[sflag:s0] =	ssyncadd.s32 $0xFFFFFF80  }
0x80: {  	[tilespmem:s6], [sflag:$0x4] =	stream.indirect.gather [hbm4b:s1+s29], $0x80, s29, s29, $0xb8;
	[tilespmem:$0x1C480] =	vst v63  }
0x81: {  	_ =	swait.ge [sflag:s7], $0x4000  }
0x82: {  	[sflag:s7] =	ssyncset.done $0x0  }
0x83: {  	s15 =	rddreg [dreg:$0x13];
	[sflag:s7] =	ssyncadd.s32 $0xFFFFC000  }
0x84: {  	p1 =	slt.s32 s15, $0x4E180;
	s16 =	smov.u32 s15;
	v2 =	vld [tilespmem:$0x100]  }
0x85: {  	s16 =	simm.s32 @!p1 $0x4E180;
	v0 =	vld [tilespmem:$0x150]  }
0x86: {  	s14 =	simm.s32 $0x20;
	v1 =	vld [tilespmem:$0x170];
	s21 =	sshrl.u32 s16, $0x3  }
.LBB2_2:
0x87: {  	p1 =	sne.s32 s14, $0x4A0  }
0x88: {  	v3 =	vld [tilespmem:$0x160];
	s15 =	sadd.s32 $0x100, s15;
	s16 =	smov.u32 s14;
	s14 =	sadd.s32 $0x20, s14  }
0x89: {  	p2 =	slt.s32 s15, $0x4E180;
	v4 =	vld [tilespmem:$0x120];
	s22 =	smov.u32 s15  }
0x8a: {  	s22 =	simm.s32 @!p2 $0x4E180;
	[tilespmem:$0x200] =	vst v2;
	v2 =	vld [tilespmem:$0x130]  }
0x8b: {  	s22 =	sshrl.u32 s22, $0x3;
	v5 =	vld [tilespmem:$0x110];
	[tilespmem:$0x250] =	vst v0  }
0x8c: {  	v0 =	vld [tilespmem:$0x140];
	[tilespmem:$0x270] =	vst v1  }
0x8d: {  	[tilespmem:$0x260] =	vst v3  }
0x8e: {  	[tilespmem:$0x220] =	vst v4  }
0x8f: {  	[tilespmem:$0x230] =	vst v2  }
0x90: {  	[tilespmem:$0x210] =	vst v5  }
0x91: {  	s17 =	sadd.s32 s4, s21;
	[tilespmem:$0x240] =	vst v0  }
0x92: {  	[spmem:s2] =	stream.indirect.scatter.add.f32 [tilespmem:s30], [sflag:$0x5], $0x80, s9, s29, $0xb8;
	[tilespmem:$0x1C480] =	vst v63  }
0x93: {  	s19 =	sadd.s32 s5, s21;
	s21 =	smov.u32 s22  }
0x94: {  	[tilespmem:s3], [sflag:$0x1] =	stream.linear.gather [hbm4b:s17+s3], $0x80, $0x38;
	[tilespmem:$0x1C480] =	vst v63  }
0x95: {  	_ = 	snop  }
0x96: {  	[tilespmem:s26], [sflag:$0x1] =	stream.linear.gather [hbm4b:s19+s3], $0x80, $0x38;
	[tilespmem:$0x1C480] =	vst v63  }
0x97: {  	_ =	swait.ge [sflag:s10], $0x4000  }
0x98: {  	[sflag:s10] =	ssyncset.done $0x0  }
0x99: {  	[sflag:s10] =	ssyncadd.s32 $0xFFFFC000  }
0x9a: {  	_ =	swait.ge [sflag:s28], $0x80  }
0x9b: {  	[sflag:s28] =	ssyncset.done $0x0  }
0x9c: {  	[sflag:s28] =	ssyncadd.s32 $0xFFFFFF80  }
0x9d: {  	_ =	swait.ge [sflag:s28], $0x80  }
0x9e: {  	[sflag:s28] =	ssyncset.done $0x0  }
0x9f: {  	[sflag:s28] =	ssyncadd.s32 $0xFFFFFF80  }
0xa0: {  	[tilespmem:s30], [sflag:$0x3] =	stream.indirect.gather [hbm4b:s1+s29], $0x80, s3, s29, $0xb8;
	[tilespmem:$0x1C480] =	vst v63  }
0xa1: {  	_ =	swait.ge [sflag:s11], $0x4000  }
0xa2: {  	[sflag:s11] =	ssyncset.done $0x0  }
0xa3: {  	[sflag:s11] =	ssyncadd.s32 $0xFFFFC000  }
0xa4: {  	v0 =	vld [tilespmem:$0x1F0]  }
0xa5: {  	v1 =	vld [tilespmem:$0x1D0]  }
0xa6: {  	v2 =	vld [tilespmem:$0x1E0]  }
0xa7: {  	v3 =	vld [tilespmem:$0x1B0]  }
0xa8: {  	v4 =	vld [tilespmem:$0x1C0]  }
0xa9: {  	v5 =	vld [tilespmem:$0x180];
	[tilespmem:$0x2F0] =	vst v0  }
0xaa: {  	v0 =	vld [tilespmem:$0x1A0];
	[tilespmem:$0x2D0] =	vst v1  }
0xab: {  	v1 =	vld [tilespmem:$0x190];
	[tilespmem:$0x2E0] =	vst v2  }
0xac: {  	[tilespmem:$0x2B0] =	vst v3  }
0xad: {  	[tilespmem:$0x2C0] =	vst v4  }
0xae: {  	[tilespmem:$0x280] =	vst v5  }
0xaf: {  	[tilespmem:$0x2A0] =	vst v0  }
0xb0: {  	[tilespmem:$0x290] =	vst v1  }
0xb1: {  	[spmem:s2] =	stream.indirect.scatter.add.f32 [tilespmem:s6], [sflag:$0x6], $0x80, s12, s29, $0xb8;
	[tilespmem:$0x1C480] =	vst v63  }
0xb2: {  	s17 =	sadd.s32 s16, s24  }
0xb3: {  	[tilespmem:s29], [sflag:$0x2] =	stream.linear.gather [hbm4b:s17+s3], $0x80, $0x38;
	[tilespmem:$0x1C480] =	vst v63  }
0xb4: {  	s16 =	sadd.s32 s16, s23  }
0xb5: {  	[tilespmem:s31], [sflag:$0x2] =	stream.linear.gather [hbm4b:s16+s3], $0x80, $0x38;
	[tilespmem:$0x1C480] =	vst v63  }
0xb6: {  	_ =	swait.ge [sflag:s13], $0x4000  }
0xb7: {  	[sflag:s13] =	ssyncset.done $0x0  }
0xb8: {  	[sflag:s13] =	ssyncadd.s32 $0xFFFFC000  }
0xb9: {  	_ =	swait.ge [sflag:s0], $0x80  }
0xba: {  	[sflag:s0] =	ssyncset.done $0x0  }
0xbb: {  	[sflag:s0] =	ssyncadd.s32 $0xFFFFFF80  }
0xbc: {  	_ =	swait.ge [sflag:s0], $0x80  }
0xbd: {  	[sflag:s0] =	ssyncset.done $0x0  }
0xbe: {  	[sflag:s0] =	ssyncadd.s32 $0xFFFFFF80  }
0xbf: {  	[tilespmem:s6], [sflag:$0x4] =	stream.indirect.gather [hbm4b:s1+s29], $0x80, s29, s29, $0xb8;
	[tilespmem:$0x1C480] =	vst v63  }
0xc0: {  	_ =	swait.ge [sflag:s7], $0x4000  }
.Ltmp0:
0xc1: {  	[sflag:s7] =	ssyncset.done $0x0;
	(pc) =	sbr.rel @p1 .LBB2_2-.Ltmp0, $4  }
0xc2: {  	[sflag:s7] =	ssyncadd.s32 $0xFFFFC000  }
0xc3: {  	v2 =	vld [tilespmem:$0x100]  }
0xc4: {  	v0 =	vld [tilespmem:$0x150]  }
0xc5: {  	v1 =	vld [tilespmem:$0x170]  }
0xc6: {  	v3 =	vld [tilespmem:$0x160]  }
0xc7: {  	v4 =	vld [tilespmem:$0x120]  }
0xc8: {  	v54 =	vld [tilespmem:$0x130];
	[tilespmem:$0x200] =	vst v2  }
0xc9: {  	v5 =	vld [tilespmem:$0x110];
	[tilespmem:$0x250] =	vst v0  }
0xca: {  	v55 =	vld [tilespmem:$0x140];
	[tilespmem:$0x270] =	vst v1  }
0xcb: {  	[tilespmem:$0x260] =	vst v3  }
0xcc: {  	[tilespmem:$0x220] =	vst v4  }
0xcd: {  	[tilespmem:$0x230] =	vst v54  }
0xce: {  	[tilespmem:$0x210] =	vst v5  }
0xcf: {  	[tilespmem:$0x240] =	vst v55  }
0xd0: {  	[spmem:s2] =	stream.indirect.scatter.add.f32 [tilespmem:s30], [sflag:$0x5], $0x80, s9, s29, $0xb8;
	[tilespmem:$0x1C480] =	vst v63  }
0xd1: {  	s14 =	sadd.s32 s4, s21  }
0xd2: {  	[tilespmem:s3], [sflag:$0x1] =	stream.linear.gather [hbm4b:s14+s3], $0x80, $0x38;
	[tilespmem:$0x1C480] =	vst v63  }
0xd3: {  	s17 =	sadd.s32 s5, s21  }
0xd4: {  	[tilespmem:s26], [sflag:$0x1] =	stream.linear.gather [hbm4b:s17+s3], $0x80, $0x38;
	[tilespmem:$0x1C480] =	vst v63  }
0xd5: {  	_ =	swait.ge [sflag:s11], $0x4000  }
0xd6: {  	[sflag:s11] =	ssyncset.done $0x0  }
0xd7: {  	[sflag:s11] =	ssyncadd.s32 $0xFFFFC000  }
0xd8: {  	v56 =	vld [tilespmem:$0x180]  }
0xd9: {  	v57 =	vld [tilespmem:$0x190]  }
0xda: {  	v58 =	vld [tilespmem:$0x1A0]  }
0xdb: {  	v59 =	vld [tilespmem:$0x1B0]  }
0xdc: {  	v60 =	vld [tilespmem:$0x1C0]  }
0xdd: {  	v61 =	vld [tilespmem:$0x1D0];
	[tilespmem:$0x280] =	vst v56  }
0xde: {  	v62 =	vld [tilespmem:$0x1E0];
	[tilespmem:$0x290] =	vst v57  }
0xdf: {  	v63 =	vld [tilespmem:$0x1F0];
	[tilespmem:$0x2A0] =	vst v58  }
0xe0: {  	[tilespmem:$0x2B0] =	vst v59  }
0xe1: {  	[tilespmem:$0x2C0] =	vst v60  }
0xe2: {  	[tilespmem:$0x2D0] =	vst v61  }
0xe3: {  	[tilespmem:$0x2E0] =	vst v62  }
0xe4: {  	[tilespmem:$0x2F0] =	vst v63  }
0xe5: {  	[spmem:s2] =	stream.indirect.scatter.add.f32 [tilespmem:s6], [sflag:$0x6], $0x80, s12, s29, $0xb8;
	[tilespmem:$0x1C480] =	vst v63  }
0xe6: {  	_ =	swait.ge [sflag:s10], $0x4000  }
0xe7: {  	[sflag:s10] =	ssyncset.done $0x0  }
0xe8: {  	[sflag:s10] =	ssyncadd.s32 $0xFFFFC000  }
0xe9: {  	_ =	swait.ge [sflag:s13], $0x4000  }
0xea: {  	[sflag:s13] =	ssyncset.done $0x0  }
0xeb: {  	[sflag:s13] =	ssyncadd.s32 $0xFFFFC000  }
0xec: {  	_ =	swait.ge [sflag:s28], $0x80  }
0xed: {  	[sflag:s28] =	ssyncset.done $0x0  }
0xee: {  	[sflag:s28] =	ssyncadd.s32 $0xFFFFFF80  }
0xef: {  	_ =	swait.ge [sflag:s28], $0x80  }
0xf0: {  	[sflag:s28] =	ssyncset.done $0x0  }
0xf1: {  	s15 =	simm.s32 $0x8300;
	s19 =	rddreg [dreg:$0xe];
	[sflag:s28] =	ssyncadd.s32 $0xFFFFFF80  }
0xf2: {  	[tilespmem:s15], [sflag:$0x7] =	stream.linear.gather [hbm4b:s19+s3], $0x10, $0x38;
	[tilespmem:$0x1C480] =	vst v63  }
0xf3: {  	_ =	swait.ge [sflag:s25], $0x10  }
0xf4: {  	[sflag:s25] =	ssyncset.done $0x0  }
0xf5: {  	s16 =	simm.s32 $0x8380;
	s21 =	rddreg [dreg:$0xf];
	[sflag:s25] =	ssyncadd.s32 $0xFFFFFFF0  }
0xf6: {  	[tilespmem:s16], [sflag:$0x7] =	stream.linear.gather [hbm4b:s21+s3], $0x10, $0x38;
	[tilespmem:$0x1C480] =	vst v63  }
0xf7: {  	_ =	swait.ge [sflag:s25], $0x10  }
0xf8: {  	[sflag:s25] =	ssyncset.done $0x0  }
0xf9: {  	s22 =	simm.s32 $0x10;
	s17 =	simm.s32 $0x8400;
	[sflag:s25] =	ssyncadd.s32 $0xFFFFFFF0  }
0xfa: {  	[tilespmem:s17], [sflag:$0x3] =	stream.indirect.gather [hbm4b:s1+s22], $0x80, s15, s22, $0xb8;
	[tilespmem:$0x1C480] =	vst v63  }
0xfb: {  	_ =	swait.ge [sflag:s7], $0x800  }
0xfc: {  	[sflag:s7] =	ssyncset.done $0x0  }
0xfd: {  	[sflag:s7] =	ssyncadd.s32 $0xFFFFF800  }
0xfe: {  	[spmem:s2] =	stream.indirect.scatter.add.f32 [tilespmem:s17], [sflag:$0x7], $0x80, s16, s22, $0xb8;
	[tilespmem:$0x1C480] =	vst v63  }
0xff: {  	_ =	swait.ge [sflag:s25], $0x800  }
0x100: {  	[sflag:s25] =	ssyncset.done $0x0  }
0x101: {  	[sflag:s25] =	ssyncadd.s32 $0xFFFFF800  }
0x102: {  	[bflag:$0x0] =	sbarrier.arrive $0xFFFF  }
0x103: {  	s19 =	rddreg [dreg:$0x10]  }
0x104: {  	s21 =	rddreg [dreg:$0x14]  }
0x105: {  	[hbm:s19], [sflag:s8] =	dma.local [spmem:s21], $0x2700  }
0x106: {  	_ =	swait.ge [sflag:s25], $0x2700  }
0x107: {  	[sflag:s25] =	ssyncset.done $0x0  }
0x108: {  	s14 =	rddreg [dreg:$0x11];
	[sflag:s25] =	ssyncadd.s32 $0xFFFFD900  }
0x109: {  	[hbm:s14], [sflag:s8] =	dma.local @!p0 [spmem:s20], $0x100  }
0x10a: {  	s14 =	simm.s32 @!p0 $0x7  }
0x10b: {  	_ =	swait.ge @!p0 [sflag:s14], $0x100  }
0x10c: {  	s18 =	sadd.s32 $0x1, s18;
	s22 =	rddreg [dreg:$0x12]  }
0x10d: {  	p1 =	sne.s32 s18, s22  }
.Ltmp1:
0x10e: {  	_ = 	snop;
	(pc) =	sbr.rel @p1 .LBB2_1-.Ltmp1, $3  }
0x10f: {  	_ =	sdelay $0x1  }
0x110: {  	[sflag:s14] =	ssyncset.done @!p0 $0x0  }
0x111: {  	[sflag:s14] =	ssyncadd.s32 @!p0 $0xFFFFFF00  }
0x112: {  	_ =	sfence.sel $0x180000  }
0x113: {  	[bflag:$0x0] =	sbarrier.arrive $0xFFFF  }
0x114: {  	_ =	strace $0x90000047  }
0x115: {  	[bflag:$0x2] =	sbarrier.arrive $0xFFFF  }
0x116: {  	s0 =	rddreg [dreg:$0x3]  }
0x117: {  	s0 =	sadd.s32 @!p0 $0x100000, s0  }
0x118: {  	[sflag:s0] =	ssyncadd.tile.s32 @!p0 $0x1;
	_ =	shalt  }
.Lfunc_end2:
_tile_overlayer_lowered:
.L_overlay_start_2:
0x119: {  	(tag) =	ssettag $0x2  }
0x11a: {  	s0 =	rddreg [dreg:$0x0];
	s2 =	stileid.u32  }
0x11b: {  	s1 =	rddreg [dreg:$0x1];
	p0 =	sne.s32 s2, $0x0  }
0x11c: {  	s3 =	rddreg [dreg:$0x2];
	[bflag:$0x3] =	sbarrier.arrive $0xFFFF;
	s2 =	simm.s32 @!p0 $0x1C07  }
0x11d: {  	[timem:s3], [sflag:s2] =	dma.local @!p0 [hbm:s0], s1  }
0x11e: {  	s0 =	simm.s32 @!p0 $0x7  }
0x11f: {  	_ =	swait.ge @!p0 [sflag:s0], s1  }
0x120: {  	s1 =	ssub.s32 @!p0 $0x0, s1;
	[sflag:s0] =	ssyncset.done @!p0 $0x0  }
0x121: {  	[sflag:s0] =	ssyncadd.s32 @!p0 s1  }
0x122: {  	[bflag:$0x3] =	sbarrier.arrive $0xFFFF  }
0x123: {  	_ =	shalt  }

</sc_bundles>
